<compile_context>
chip_gen: v7x
topology: tpu7x:2x2x1
jax: 0.10.2.dev20260603
libtpu: 0.0.44.dev20260713+nightly
codegen_flags: <defaults>
</compile_context>

<pallas_src>
import functools

import jax
import jax.numpy as jnp
from jax import lax
from jax.experimental import pallas as pl
from jax.experimental.pallas import tpu as pltpu
from jax.experimental.pallas import tpu_sc as plsc

_N = 10000
_D = 256
_E = 160000
_NPAD = 10240
_HALF = 128
_NC = 2
_NS = 16
_K = 128
_NOP = _E // _K
_OPT_E = 80
_OPT_D = 40
_OPROWS = 1280
_ROWS_PER_SUB = _NPAD // _NS
_NSLOT = 2
_OPC = 40
_NCH = _OPT_E // _OPC



def _deg_body(dst2_hbm, out_hbm, didx2, ones, zrow, deg_sh, sem):
    c = lax.axis_index("c")
    s = lax.axis_index("s")
    for u in range(8):
        ones[0, pl.ds(u * 16, 16)] = jnp.full((16,), 1.0, jnp.float32)
        zrow[0, pl.ds(u * 16, 16)] = jnp.zeros((16,), jnp.float32)
    def zbody(m, _):
        pltpu.sync_copy(zrow.at[0], deg_sh.at[pl.ds(s * _ROWS_PER_SUB + m * _HALF, _HALF)])
        return 0
    lax.fori_loop(0, _ROWS_PER_SUB // _HALF, zbody, 0)

    w = s * _NC + c
    base = w * _OPT_D
    nops = jnp.minimum(_OPT_D, _NOP - base)
    pltpu.sync_copy(dst2_hbm.at[pl.ds(base, _OPT_D), :], didx2)
    plsc.subcore_barrier()

    def fire(j, _):
        @pl.when(j < nops)
        def _():
            pltpu.async_copy(ones.at[0], deg_sh.at[didx2.at[j]], sem, add=True)
        return 0
    lax.fori_loop(0, _OPT_D, fire, 0)
    def drain(j, _):
        @pl.when(j < nops)
        def _():
            pltpu.make_async_copy(ones.at[0], deg_sh.at[didx2.at[0]], sem).wait()
        return 0
    lax.fori_loop(0, _OPT_D, drain, 0)
    plsc.subcore_barrier()

    def wbody(m, _):
        off = s * _ROWS_PER_SUB + m * _HALF
        pltpu.sync_copy(deg_sh.at[pl.ds(off, _HALF)], zrow.at[0])
        pltpu.sync_copy(zrow.at[0], out_hbm.at[pl.ds(c * _NPAD + off, _HALF)])
        return 0
    lax.fori_loop(0, _ROWS_PER_SUB // _HALF, wbody, 0)


@functools.partial(
    pl.kernel,
    out_type=jax.ShapeDtypeStruct((_NC * _NPAD,), jnp.float32),
    mesh=plsc.VectorSubcoreMesh(core_axis_name="c", subcore_axis_name="s"),
    scratch_types=[
        pltpu.VMEM((_OPT_D, _K), jnp.int32),
        pltpu.VMEM((1, _HALF), jnp.float32),
        pltpu.VMEM((1, _HALF), jnp.float32),
        pltpu.VMEM_SHARED((_NPAD,), jnp.float32),
        pltpu.SemaphoreType.DMA,
    ],
)
def _deg_call(dst2_hbm, out_hbm, didx2, ones, zrow, deg_sh, sem):
    _deg_body(dst2_hbm, out_hbm, didx2, ones, zrow, deg_sh, sem)



def _ab_tc(x_ref, w_ref, p0_ref, p1_ref, hp2_ref, dinv_ref):
    h = jnp.dot(x_ref[...], w_ref[...], preferred_element_type=jnp.float32)
    deg = p0_ref[...] + p1_ref[...] + 1.0
    dinv = lax.rsqrt(deg)
    hp = h * dinv
    hp2_ref[0] = hp[:, :_HALF]
    hp2_ref[1] = hp[:, _HALF:]
    dinv_ref[...] = dinv



def _edge_body(src2_hbm, dst2_hbm, hcat_hbm, out_hbm, sidx2, didx2, rows, acc_sh, gsems, ssems):
    c = lax.axis_index("c")
    s = lax.axis_index("s")
    base = s * _OPT_E
    nops = jnp.minimum(_OPT_E, _NOP - base)

    def zfill(i, _):
        for u in range(8):
            rows[0][i, pl.ds(u * 16, 16)] = jnp.zeros((16,), jnp.float32)
        return 0
    lax.fori_loop(0, _K, zfill, 0)
    def zbody(m, _):
        pltpu.sync_copy(rows[0], acc_sh.at[pl.ds(s * _ROWS_PER_SUB + m * _K, _K), :])
        return 0
    lax.fori_loop(0, _ROWS_PER_SUB // _K, zbody, 0)

    cbase = c * _N

    def g_start(j, p):
        pltpu.async_copy(hcat_hbm.at[sidx2.at[j]], rows[p], gsems[p])
    def g_wait(p):
        pltpu.make_async_copy(hcat_hbm.at[sidx2.at[0]], rows[p], gsems[p]).wait()
    def s_start(j, p):
        pltpu.async_copy(rows[p], acc_sh.at[didx2.at[j]], ssems[p], add=True)
    def s_wait(p):
        pltpu.make_async_copy(rows[p], acc_sh.at[didx2.at[0]], ssems[p]).wait()

    plsc.subcore_barrier()

    for ch in range(_NCH):
        cb = base + ch * _OPC
        nops = jnp.minimum(_OPC, jnp.maximum(0, _NOP - cb))
        pltpu.sync_copy(src2_hbm.at[pl.ds(cb, _OPC), :], sidx2)
        pltpu.sync_copy(dst2_hbm.at[pl.ds(cb, _OPC), :], didx2)
        def tbody(j, _):
            for u in range(8):
                sidx2[j, pl.ds(u * 16, 16)] = sidx2[j, pl.ds(u * 16, 16)] + cbase
            return 0
        lax.fori_loop(0, _OPC, tbody, 0)

        for q in range(_NSLOT):
            @pl.when(q < nops)
            def _(q=q):
                g_start(q, q)

        def lbody(t, _):
            j0 = t * _NSLOT
            for q in range(_NSLOT):
                @pl.when(j0 + q < nops)
                def _(q=q):
                    g_wait(q)
                    s_start(j0 + q, q)
            for q in range(_NSLOT):
                @pl.when(j0 + q < nops)
                def _(q=q):
                    s_wait(q)
                @pl.when(j0 + q + _NSLOT < nops)
                def _(q=q):
                    g_start(j0 + q + _NSLOT, q)
            return 0
        lax.fori_loop(0, (_OPC + _NSLOT - 1) // _NSLOT, lbody, 0)
    plsc.subcore_barrier()

    def wbody(m, _):
        off = s * _ROWS_PER_SUB + m * _K
        pltpu.sync_copy(acc_sh.at[pl.ds(off, _K), :], rows[0])
        pltpu.sync_copy(rows[0], out_hbm.at[pl.ds(c * _NPAD + off, _K), :])
        return 0
    lax.fori_loop(0, _ROWS_PER_SUB // _K, wbody, 0)


@functools.partial(
    pl.kernel,
    out_type=jax.ShapeDtypeStruct((_NC * _NPAD, _HALF), jnp.float32),
    mesh=plsc.VectorSubcoreMesh(core_axis_name="c", subcore_axis_name="s"),
    scratch_types=[
        pltpu.VMEM((_OPC, _K), jnp.int32),
        pltpu.VMEM((_OPC, _K), jnp.int32),
        [pltpu.VMEM((_K, _HALF), jnp.float32)] * _NSLOT,
        pltpu.VMEM_SHARED((_NPAD, _HALF), jnp.float32),
        [pltpu.SemaphoreType.DMA] * _NSLOT,
        [pltpu.SemaphoreType.DMA] * _NSLOT,
    ],
)
def _edge_call(src2_hbm, dst2_hbm, hcat_hbm, out_hbm, sidx2, didx2, rows, acc_sh, gsems, ssems):
    _edge_body(src2_hbm, dst2_hbm, hcat_hbm, out_hbm, sidx2, didx2, rows, acc_sh, gsems, ssems)



def _fin_tc(acc_ref, hp2_ref, dinv_ref, b_ref, o_ref):
    dinv = dinv_ref[...]
    o0 = (acc_ref[0] + hp2_ref[0]) * dinv
    o1 = (acc_ref[1] + hp2_ref[1]) * dinv
    o_ref[...] = jnp.concatenate([o0, o1], axis=1) + b_ref[...]



_BN = 5000


def kernel(x, edge_index, W, b):
    ei = jnp.pad(edge_index, ((0, 0), (0, _OPROWS * _K - _E)))
    ei = ei.reshape(2, _OPROWS, _K)
    src2 = ei[0]
    dst2 = ei[1]

    degflat = _deg_call(dst2)
    p0 = degflat[:_N].reshape(_N, 1)
    p1 = degflat[_NPAD:_NPAD + _N].reshape(_N, 1)

    hp2, dinv = pl.pallas_call(
        _ab_tc,
        grid=(_N // _BN,),
        in_specs=[
            pl.BlockSpec((_BN, _D), lambda i: (i, 0)),
            pl.BlockSpec((_D, _D), lambda i: (0, 0)),
            pl.BlockSpec((_BN, 1), lambda i: (i, 0)),
            pl.BlockSpec((_BN, 1), lambda i: (i, 0)),
        ],
        out_specs=[
            pl.BlockSpec((2, _BN, _HALF), lambda i: (0, i, 0)),
            pl.BlockSpec((_BN, 1), lambda i: (i, 0)),
        ],
        out_shape=[
            jax.ShapeDtypeStruct((2, _N, _HALF), jnp.float32),
            jax.ShapeDtypeStruct((_N, 1), jnp.float32),
        ],
    )(x, W, p0, p1)

    hcat = hp2.reshape(2 * _N, _HALF)
    accflat = _edge_call(src2, dst2, hcat)
    acc = accflat.reshape(2, _NPAD, _HALF)

    out = pl.pallas_call(
        _fin_tc,
        grid=(_N // _BN,),
        in_specs=[
            pl.BlockSpec((2, _BN, _HALF), lambda i: (0, i, 0)),
            pl.BlockSpec((2, _BN, _HALF), lambda i: (0, i, 0)),
            pl.BlockSpec((_BN, 1), lambda i: (i, 0)),
            pl.BlockSpec((1, _D), lambda i: (0, 0)),
        ],
        out_specs=pl.BlockSpec((_BN, _D), lambda i: (i, 0)),
        out_shape=jax.ShapeDtypeStruct((_N, _D), jnp.float32),
    )(acc, hp2, dinv, b.reshape(1, _D))

    return out

# --- scband reference (transcript-rebuilt; emitter-appended) ---
"""Pipeline reference for scband-wrnn-77687368450205 (READ-ONLY COPY).

The authoritative reference and input builder live on the scoring server;
editing this copy changes nothing except your own understanding.
"""

import jax, jax.numpy as jnp
import numpy as np

N = 10000
D = 256
E = 160000

def setup_inputs(seed: int = 0) -> dict:
    key = jax.random.key(seed)
    k1, k2, k3, k4 = jax.random.split(key, 4)
    x = jax.random.normal(k1, (N, D), dtype=jnp.float32)
    edge_index = jax.random.randint(k2, (2, E), 0, N, dtype=jnp.int32)
    # GCNConv learned params: weight [in, out] and bias [out]
    W = jax.random.normal(k3, (D, D), dtype=jnp.float32) * (1.0 / np.sqrt(D))
    b = jnp.zeros((D,), dtype=jnp.float32)
    return {"x": x, "edge_index": edge_index, "W": W, "b": b}

def reference(x, edge_index, W, b):
    # Faithful GCNConv (PyG semantics): add self-loops, symmetric normalization,
    # linear transform, scatter-add aggregation to destination nodes, add bias.
    n = x.shape[0]
    src = edge_index[0]
    dst = edge_index[1]
    loop = jnp.arange(n, dtype=src.dtype)
    src = jnp.concatenate([src, loop], axis=0)
    dst = jnp.concatenate([dst, loop], axis=0)
    edge_weight = jnp.ones((src.shape[0],), dtype=x.dtype)
    deg = jnp.zeros((n,), dtype=x.dtype).at[dst].add(edge_weight)
    deg_inv_sqrt = jnp.where(deg > 0, 1.0 / jnp.sqrt(deg), 0.0)
    norm = deg_inv_sqrt[src] * edge_weight * deg_inv_sqrt[dst]
    h = x @ W
    msgs = h[src] * norm[:, None]
    out = jnp.zeros((n, h.shape[1]), dtype=x.dtype).at[dst].add(msgs)
    return out + b

if __name__ == "__main__":
    import jax
    _d = setup_inputs()
    print(jax.jit(kernel)(*tuple(_d.values())))

</pallas_src>

<mosaic_0001>
#map = affine_map<(d0, d1) -> (0, 0)>
#map1 = affine_map<(d0, d1) -> (0)>
module attributes {stable_mosaic.version = 14 : i64} {
  func.func @_deg_call(%arg0: i32, %arg1: i32, %arg2: memref<1280x128xi32, #tpu.memory_space<hbm>>, %arg3: memref<20480xf32, #tpu.memory_space<hbm>>, %arg4: memref<40x128xi32, #tpu.memory_space<vmem>>, %arg5: memref<1x128xf32, #tpu.memory_space<vmem>>, %arg6: memref<1x128xf32, #tpu.memory_space<vmem>>, %arg7: memref<10240xf32, #tpu.memory_space<vmem_shared>>, %arg8: memref<!tpu.dma_semaphore, #tpu.memory_space<semaphore_mem>>) attributes {dimension_semantics = [#tpu.dimension_semantics<core_parallel>, #tpu.dimension_semantics<subcore_parallel>], iteration_bounds = array<i64: 2, 16>, scalar_prefetch = 0 : i64, scratch_operands = 5 : i64, tpu.core_type = #tpu.core_type<sc_vector_subcore>, window_params = [{transform_indices = #map}, {transform_indices = #map1}]} {
    %broadcast_in_dim3A = arith.constant 1.000000e+00 : f32
    %broadcast_in_dim3A_0 = vector.broadcast %broadcast_in_dim3A : f32 to vector<16xf32>
    %swap3A = arith.constant 0 : i32
    %swap3A_1 = arith.index_cast %swap3A : i32 to index
    %swap3A_2 = arith.constant 0 : index
    %swap3A_3 = tpu.vector_load %arg5[%swap3A_1, %swap3A_2] {strides = array<i32>} : memref<1x128xf32, #tpu.memory_space<vmem>>, vector<1x16xf32>,
    %swap3A_4 = vector.shape_cast %swap3A_3 : vector<1x16xf32> to vector<16xf32>
    %swap3A_5 = vector.shape_cast %broadcast_in_dim3A_0 : vector<16xf32> to vector<1x16xf32>
    tpu.vector_store %arg5[%swap3A_1, %swap3A_2], %swap3A_5 {strides = array<i32>} : memref<1x128xf32, #tpu.memory_space<vmem>>, vector<1x16xf32>,
    %broadcast_in_dim3A_6 = arith.constant 0.000000e+00 : f32
    %broadcast_in_dim3A_7 = vector.broadcast %broadcast_in_dim3A_6 : f32 to vector<16xf32>
    %swap3A_8 = arith.constant 0 : i32
    %swap3A_9 = arith.index_cast %swap3A_8 : i32 to index
    %swap3A_10 = arith.constant 0 : index
    %swap3A_11 = tpu.vector_load %arg6[%swap3A_9, %swap3A_10] {strides = array<i32>} : memref<1x128xf32, #tpu.memory_space<vmem>>, vector<1x16xf32>,
    %swap3A_12 = vector.shape_cast %swap3A_11 : vector<1x16xf32> to vector<16xf32>
    %swap3A_13 = vector.shape_cast %broadcast_in_dim3A_7 : vector<16xf32> to vector<1x16xf32>
    tpu.vector_store %arg6[%swap3A_9, %swap3A_10], %swap3A_13 {strides = array<i32>} : memref<1x128xf32, #tpu.memory_space<vmem>>, vector<1x16xf32>,
    %broadcast_in_dim3A_14 = arith.constant 1.000000e+00 : f32
    %broadcast_in_dim3A_15 = vector.broadcast %broadcast_in_dim3A_14 : f32 to vector<16xf32>
    %swap3A_16 = arith.constant 0 : i32
    %swap3A_17 = arith.index_cast %swap3A_16 : i32 to index
    %swap3A_18 = arith.constant 16 : index
    %swap3A_19 = tpu.vector_load %arg5[%swap3A_17, %swap3A_18] {strides = array<i32>} : memref<1x128xf32, #tpu.memory_space<vmem>>, vector<1x16xf32>,
    %swap3A_20 = vector.shape_cast %swap3A_19 : vector<1x16xf32> to vector<16xf32>
    %swap3A_21 = vector.shape_cast %broadcast_in_dim3A_15 : vector<16xf32> to vector<1x16xf32>
    tpu.vector_store %arg5[%swap3A_17, %swap3A_18], %swap3A_21 {strides = array<i32>} : memref<1x128xf32, #tpu.memory_space<vmem>>, vector<1x16xf32>,
    %broadcast_in_dim3A_22 = arith.constant 0.000000e+00 : f32
    %broadcast_in_dim3A_23 = vector.broadcast %broadcast_in_dim3A_22 : f32 to vector<16xf32>
    %swap3A_24 = arith.constant 0 : i32
    %swap3A_25 = arith.index_cast %swap3A_24 : i32 to index
    %swap3A_26 = arith.constant 16 : index
    %swap3A_27 = tpu.vector_load %arg6[%swap3A_25, %swap3A_26] {strides = array<i32>} : memref<1x128xf32, #tpu.memory_space<vmem>>, vector<1x16xf32>,
    %swap3A_28 = vector.shape_cast %swap3A_27 : vector<1x16xf32> to vector<16xf32>
    %swap3A_29 = vector.shape_cast %broadcast_in_dim3A_23 : vector<16xf32> to vector<1x16xf32>
    tpu.vector_store %arg6[%swap3A_25, %swap3A_26], %swap3A_29 {strides = array<i32>} : memref<1x128xf32, #tpu.memory_space<vmem>>, vector<1x16xf32>,
    %broadcast_in_dim3A_30 = arith.constant 1.000000e+00 : f32
    %broadcast_in_dim3A_31 = vector.broadcast %broadcast_in_dim3A_30 : f32 to vector<16xf32>
    %swap3A_32 = arith.constant 0 : i32
    %swap3A_33 = arith.index_cast %swap3A_32 : i32 to index
    %swap3A_34 = arith.constant 32 : index
    %swap3A_35 = tpu.vector_load %arg5[%swap3A_33, %swap3A_34] {strides = array<i32>} : memref<1x128xf32, #tpu.memory_space<vmem>>, vector<1x16xf32>,
    %swap3A_36 = vector.shape_cast %swap3A_35 : vector<1x16xf32> to vector<16xf32>
    %swap3A_37 = vector.shape_cast %broadcast_in_dim3A_31 : vector<16xf32> to vector<1x16xf32>
    tpu.vector_store %arg5[%swap3A_33, %swap3A_34], %swap3A_37 {strides = array<i32>} : memref<1x128xf32, #tpu.memory_space<vmem>>, vector<1x16xf32>,
    %broadcast_in_dim3A_38 = arith.constant 0.000000e+00 : f32
    %broadcast_in_dim3A_39 = vector.broadcast %broadcast_in_dim3A_38 : f32 to vector<16xf32>
    %swap3A_40 = arith.constant 0 : i32
    %swap3A_41 = arith.index_cast %swap3A_40 : i32 to index
    %swap3A_42 = arith.constant 32 : index
    %swap3A_43 = tpu.vector_load %arg6[%swap3A_41, %swap3A_42] {strides = array<i32>} : memref<1x128xf32, #tpu.memory_space<vmem>>, vector<1x16xf32>,
    %swap3A_44 = vector.shape_cast %swap3A_43 : vector<1x16xf32> to vector<16xf32>
    %swap3A_45 = vector.shape_cast %broadcast_in_dim3A_39 : vector<16xf32> to vector<1x16xf32>
    tpu.vector_store %arg6[%swap3A_41, %swap3A_42], %swap3A_45 {strides = array<i32>} : memref<1x128xf32, #tpu.memory_space<vmem>>, vector<1x16xf32>,
    %broadcast_in_dim3A_46 = arith.constant 1.000000e+00 : f32
    %broadcast_in_dim3A_47 = vector.broadcast %broadcast_in_dim3A_46 : f32 to vector<16xf32>
    %swap3A_48 = arith.constant 0 : i32
    %swap3A_49 = arith.index_cast %swap3A_48 : i32 to index
    %swap3A_50 = arith.constant 48 : index
    %swap3A_51 = tpu.vector_load %arg5[%swap3A_49, %swap3A_50] {strides = array<i32>} : memref<1x128xf32, #tpu.memory_space<vmem>>, vector<1x16xf32>,
    %swap3A_52 = vector.shape_cast %swap3A_51 : vector<1x16xf32> to vector<16xf32>
    %swap3A_53 = vector.shape_cast %broadcast_in_dim3A_47 : vector<16xf32> to vector<1x16xf32>
    tpu.vector_store %arg5[%swap3A_49, %swap3A_50], %swap3A_53 {strides = array<i32>} : memref<1x128xf32, #tpu.memory_space<vmem>>, vector<1x16xf32>,
    %broadcast_in_dim3A_54 = arith.constant 0.000000e+00 : f32
    %broadcast_in_dim3A_55 = vector.broadcast %broadcast_in_dim3A_54 : f32 to vector<16xf32>
    %swap3A_56 = arith.constant 0 : i32
    %swap3A_57 = arith.index_cast %swap3A_56 : i32 to index
    %swap3A_58 = arith.constant 48 : index
    %swap3A_59 = tpu.vector_load %arg6[%swap3A_57, %swap3A_58] {strides = array<i32>} : memref<1x128xf32, #tpu.memory_space<vmem>>, vector<1x16xf32>,
    %swap3A_60 = vector.shape_cast %swap3A_59 : vector<1x16xf32> to vector<16xf32>
    %swap3A_61 = vector.shape_cast %broadcast_in_dim3A_55 : vector<16xf32> to vector<1x16xf32>
    tpu.vector_store %arg6[%swap3A_57, %swap3A_58], %swap3A_61 {strides = array<i32>} : memref<1x128xf32, #tpu.memory_space<vmem>>, vector<1x16xf32>,
    %broadcast_in_dim3A_62 = arith.constant 1.000000e+00 : f32
    %broadcast_in_dim3A_63 = vector.broadcast %broadcast_in_dim3A_62 : f32 to vector<16xf32>
    %swap3A_64 = arith.constant 0 : i32
    %swap3A_65 = arith.index_cast %swap3A_64 : i32 to index
    %swap3A_66 = arith.constant 64 : index
    %swap3A_67 = tpu.vector_load %arg5[%swap3A_65, %swap3A_66] {strides = array<i32>} : memref<1x128xf32, #tpu.memory_space<vmem>>, vector<1x16xf32>,
    %swap3A_68 = vector.shape_cast %swap3A_67 : vector<1x16xf32> to vector<16xf32>
    %swap3A_69 = vector.shape_cast %broadcast_in_dim3A_63 : vector<16xf32> to vector<1x16xf32>
    tpu.vector_store %arg5[%swap3A_65, %swap3A_66], %swap3A_69 {strides = array<i32>} : memref<1x128xf32, #tpu.memory_space<vmem>>, vector<1x16xf32>,
    %broadcast_in_dim3A_70 = arith.constant 0.000000e+00 : f32
    %broadcast_in_dim3A_71 = vector.broadcast %broadcast_in_dim3A_70 : f32 to vector<16xf32>
    %swap3A_72 = arith.constant 0 : i32
    %swap3A_73 = arith.index_cast %swap3A_72 : i32 to index
    %swap3A_74 = arith.constant 64 : index
    %swap3A_75 = tpu.vector_load %arg6[%swap3A_73, %swap3A_74] {strides = array<i32>} : memref<1x128xf32, #tpu.memory_space<vmem>>, vector<1x16xf32>,
    %swap3A_76 = vector.shape_cast %swap3A_75 : vector<1x16xf32> to vector<16xf32>
    %swap3A_77 = vector.shape_cast %broadcast_in_dim3A_71 : vector<16xf32> to vector<1x16xf32>
    tpu.vector_store %arg6[%swap3A_73, %swap3A_74], %swap3A_77 {strides = array<i32>} : memref<1x128xf32, #tpu.memory_space<vmem>>, vector<1x16xf32>,
    %broadcast_in_dim3A_78 = arith.constant 1.000000e+00 : f32
    %broadcast_in_dim3A_79 = vector.broadcast %broadcast_in_dim3A_78 : f32 to vector<16xf32>
    %swap3A_80 = arith.constant 0 : i32
    %swap3A_81 = arith.index_cast %swap3A_80 : i32 to index
    %swap3A_82 = arith.constant 80 : index
    %swap3A_83 = tpu.vector_load %arg5[%swap3A_81, %swap3A_82] {strides = array<i32>} : memref<1x128xf32, #tpu.memory_space<vmem>>, vector<1x16xf32>,
    %swap3A_84 = vector.shape_cast %swap3A_83 : vector<1x16xf32> to vector<16xf32>
    %swap3A_85 = vector.shape_cast %broadcast_in_dim3A_79 : vector<16xf32> to vector<1x16xf32>
    tpu.vector_store %arg5[%swap3A_81, %swap3A_82], %swap3A_85 {strides = array<i32>} : memref<1x128xf32, #tpu.memory_space<vmem>>, vector<1x16xf32>,
    %broadcast_in_dim3A_86 = arith.constant 0.000000e+00 : f32
    %broadcast_in_dim3A_87 = vector.broadcast %broadcast_in_dim3A_86 : f32 to vector<16xf32>
    %swap3A_88 = arith.constant 0 : i32
    %swap3A_89 = arith.index_cast %swap3A_88 : i32 to index
    %swap3A_90 = arith.constant 80 : index
    %swap3A_91 = tpu.vector_load %arg6[%swap3A_89, %swap3A_90] {strides = array<i32>} : memref<1x128xf32, #tpu.memory_space<vmem>>, vector<1x16xf32>,
    %swap3A_92 = vector.shape_cast %swap3A_91 : vector<1x16xf32> to vector<16xf32>
    %swap3A_93 = vector.shape_cast %broadcast_in_dim3A_87 : vector<16xf32> to vector<1x16xf32>
    tpu.vector_store %arg6[%swap3A_89, %swap3A_90], %swap3A_93 {strides = array<i32>} : memref<1x128xf32, #tpu.memory_space<vmem>>, vector<1x16xf32>,
    %broadcast_in_dim3A_94 = arith.constant 1.000000e+00 : f32
    %broadcast_in_dim3A_95 = vector.broadcast %broadcast_in_dim3A_94 : f32 to vector<16xf32>
    %swap3A_96 = arith.constant 0 : i32
    %swap3A_97 = arith.index_cast %swap3A_96 : i32 to index
    %swap3A_98 = arith.constant 96 : index
    %swap3A_99 = tpu.vector_load %arg5[%swap3A_97, %swap3A_98] {strides = array<i32>} : memref<1x128xf32, #tpu.memory_space<vmem>>, vector<1x16xf32>,
    %swap3A_100 = vector.shape_cast %swap3A_99 : vector<1x16xf32> to vector<16xf32>
    %swap3A_101 = vector.shape_cast %broadcast_in_dim3A_95 : vector<16xf32> to vector<1x16xf32>
    tpu.vector_store %arg5[%swap3A_97, %swap3A_98], %swap3A_101 {strides = array<i32>} : memref<1x128xf32, #tpu.memory_space<vmem>>, vector<1x16xf32>,
    %broadcast_in_dim3A_102 = arith.constant 0.000000e+00 : f32
    %broadcast_in_dim3A_103 = vector.broadcast %broadcast_in_dim3A_102 : f32 to vector<16xf32>
    %swap3A_104 = arith.constant 0 : i32
    %swap3A_105 = arith.index_cast %swap3A_104 : i32 to index
    %swap3A_106 = arith.constant 96 : index
    %swap3A_107 = tpu.vector_load %arg6[%swap3A_105, %swap3A_106] {strides = array<i32>} : memref<1x128xf32, #tpu.memory_space<vmem>>, vector<1x16xf32>,
    %swap3A_108 = vector.shape_cast %swap3A_107 : vector<1x16xf32> to vector<16xf32>
    %swap3A_109 = vector.shape_cast %broadcast_in_dim3A_103 : vector<16xf32> to vector<1x16xf32>
    tpu.vector_store %arg6[%swap3A_105, %swap3A_106], %swap3A_109 {strides = array<i32>} : memref<1x128xf32, #tpu.memory_space<vmem>>, vector<1x16xf32>,
    %broadcast_in_dim3A_110 = arith.constant 1.000000e+00 : f32
    %broadcast_in_dim3A_111 = vector.broadcast %broadcast_in_dim3A_110 : f32 to vector<16xf32>
    %swap3A_112 = arith.constant 0 : i32
    %swap3A_113 = arith.index_cast %swap3A_112 : i32 to index
    %swap3A_114 = arith.constant 112 : index
    %swap3A_115 = tpu.vector_load %arg5[%swap3A_113, %swap3A_114] {strides = array<i32>} : memref<1x128xf32, #tpu.memory_space<vmem>>, vector<1x16xf32>,
    %swap3A_116 = vector.shape_cast %swap3A_115 : vector<1x16xf32> to vector<16xf32>
    %swap3A_117 = vector.shape_cast %broadcast_in_dim3A_111 : vector<16xf32> to vector<1x16xf32>
    tpu.vector_store %arg5[%swap3A_113, %swap3A_114], %swap3A_117 {strides = array<i32>} : memref<1x128xf32, #tpu.memory_space<vmem>>, vector<1x16xf32>,
    %broadcast_in_dim3A_118 = arith.constant 0.000000e+00 : f32
    %broadcast_in_dim3A_119 = vector.broadcast %broadcast_in_dim3A_118 : f32 to vector<16xf32>
    %swap3A_120 = arith.constant 0 : i32
    %swap3A_121 = arith.index_cast %swap3A_120 : i32 to index
    %swap3A_122 = arith.constant 112 : index
    %swap3A_123 = tpu.vector_load %arg6[%swap3A_121, %swap3A_122] {strides = array<i32>} : memref<1x128xf32, #tpu.memory_space<vmem>>, vector<1x16xf32>,
    %swap3A_124 = vector.shape_cast %swap3A_123 : vector<1x16xf32> to vector<16xf32>
    %swap3A_125 = vector.shape_cast %broadcast_in_dim3A_119 : vector<16xf32> to vector<1x16xf32>
    tpu.vector_store %arg6[%swap3A_121, %swap3A_122], %swap3A_125 {strides = array<i32>} : memref<1x128xf32, #tpu.memory_space<vmem>>, vector<1x16xf32>,
    %scan3A = arith.constant 0 : i32
    %scan3A_126 = arith.constant 0 : i32
    %scan3A_127 = arith.constant 5 : i32
    %scan3A_128 = arith.addi %scan3A_126, %scan3A_127 : i32
    %scan3A_129 = arith.constant 1 : i32
    %scan3A_130 = scf.for %scan3A_159 = %scan3A_126 to %scan3A_128 step %scan3A_129 iter_args(%scan3A_160 = %scan3A) -> (i32)  : i32 {
      %mul3A_161 = arith.constant 640 : i32
      %mul3A_162 = arith.muli %arg1, %mul3A_161 : i32
      %mul3A_163 = arith.constant 128 : i32
      %mul3A_164 = arith.muli %scan3A_159, %mul3A_163 : i32
      %add3A_165 = arith.addi %mul3A_162, %mul3A_164 : i32
      %run_scoped3A = arith.constant 0 : i32
      "tpu.region"() ({
        %run_scoped3A_167 = tpu.sem_alloc : memref<!tpu.dma_semaphore, #tpu.memory_space<semaphore_mem>>
        %dma_start3A = arith.constant 0 : i32
        %dma_start3A_168 = tpu.memref_slice %arg6[%run_scoped3A, %dma_start3A] : memref<1x128xf32, #tpu.memory_space<vmem>> -> memref<1x128xf32, #tpu.memory_space<vmem>>
        %dma_start3A_169 = tpu.memref_squeeze %dma_start3A_168 : memref<1x128xf32, #tpu.memory_space<vmem>> -> memref<128xf32, #tpu.memory_space<vmem>>
        %dma_start3A_170 = tpu.memref_slice %arg7[%add3A_165] : memref<10240xf32, #tpu.memory_space<vmem_shared>> -> memref<128xf32, #tpu.memory_space<vmem_shared>>
        %dma_start3A_171 = tpu.memref_slice %arg7[%add3A_165] : memref<10240xf32, #tpu.memory_space<vmem_shared>> -> memref<128xf32, #tpu.memory_space<vmem_shared>>
        %dma_start3A_172 = arith.constant 0 : i32
        %dma_start3A_173 = tpu.memref_slice %arg6[%run_scoped3A, %dma_start3A_172] : memref<1x128xf32, #tpu.memory_space<vmem>> -> memref<1x128xf32, #tpu.memory_space<vmem>>
        %dma_start3A_174 = tpu.memref_squeeze %dma_start3A_173 : memref<1x128xf32, #tpu.memory_space<vmem>> -> memref<128xf32, #tpu.memory_space<vmem>>
        tpu.enqueue_dma source(%dma_start3A_174 : memref<128xf32, #tpu.memory_space<vmem>>) target(%dma_start3A_171 : memref<128xf32, #tpu.memory_space<vmem_shared>>) target_semaphore(%run_scoped3A_167 : memref<!tpu.dma_semaphore, #tpu.memory_space<semaphore_mem>>)
        %dma_wait3A = arith.constant 0 : i32
        %dma_wait3A_175 = tpu.memref_slice %arg6[%run_scoped3A, %dma_wait3A] : memref<1x128xf32, #tpu.memory_space<vmem>> -> memref<1x128xf32, #tpu.memory_space<vmem>>
        %dma_wait3A_176 = tpu.memref_squeeze %dma_wait3A_175 : memref<1x128xf32, #tpu.memory_space<vmem>> -> memref<128xf32, #tpu.memory_space<vmem>>
        %dma_wait3A_177 = tpu.memref_slice %arg7[%add3A_165] : memref<10240xf32, #tpu.memory_space<vmem_shared>> -> memref<128xf32, #tpu.memory_space<vmem_shared>>
        %dma_wait3A_178 = tpu.memref_slice %arg7[%add3A_165] : memref<10240xf32, #tpu.memory_space<vmem_shared>> -> memref<128xf32, #tpu.memory_space<vmem_shared>>
        %dma_wait3A_179 = arith.constant 0 : i32
        %dma_wait3A_180 = tpu.memref_slice %arg6[%run_scoped3A, %dma_wait3A_179] : memref<1x128xf32, #tpu.memory_space<vmem>> -> memref<1x128xf32, #tpu.memory_space<vmem>>
        %dma_wait3A_181 = tpu.memref_squeeze %dma_wait3A_180 : memref<1x128xf32, #tpu.memory_space<vmem>> -> memref<128xf32, #tpu.memory_space<vmem>>
        tpu.wait_dma2 semaphore(%run_scoped3A_167 : memref<!tpu.dma_semaphore, #tpu.memory_space<semaphore_mem>>) src(%dma_wait3A_181 : memref<128xf32, #tpu.memory_space<vmem>>) dst(%dma_wait3A_178 : memref<128xf32, #tpu.memory_space<vmem_shared>>)
        tpu.yield
      }) : () -> ()
      %scan3A_166 = arith.constant 0 : i32
      scf.yield %scan3A_166 : i32
    }
    %scan3A_131 = arith.constant 5 : i32
    %mul3A = arith.constant 2 : i32
    %mul3A_132 = arith.muli %arg1, %mul3A : i32
    %add3A = arith.addi %mul3A_132, %arg0 : i32
    %mul3A_133 = arith.constant 40 : i32
    %mul3A_134 = arith.muli %add3A, %mul3A_133 : i32
    %sub3A = arith.constant 1250 : i32
    %sub3A_135 = arith.subi %sub3A, %mul3A_134 : i32
    %min3A = arith.constant 40 : i32
    %min3A_136 = arith.minsi %min3A, %sub3A_135 : i32
    "tpu.region"() ({
      %run_scoped3A = tpu.sem_alloc : memref<!tpu.dma_semaphore, #tpu.memory_space<semaphore_mem>>
      %dma_start3A = arith.constant 0 : i32
      %dma_start3A_159 = tpu.memref_slice %arg2[%mul3A_134, %dma_start3A] : memref<1280x128xi32, #tpu.memory_space<hbm>> -> memref<40x128xi32, #tpu.memory_space<hbm>>
      %dma_start3A_160 = arith.constant 0 : i32
      %dma_start3A_161 = tpu.memref_slice %arg2[%mul3A_134, %dma_start3A_160] : memref<1280x128xi32, #tpu.memory_space<hbm>> -> memref<40x128xi32, #tpu.memory_space<hbm>>
      tpu.enqueue_dma source(%dma_start3A_161 : memref<40x128xi32, #tpu.memory_space<hbm>>) target(%arg4 : memref<40x128xi32, #tpu.memory_space<vmem>>) target_semaphore(%run_scoped3A : memref<!tpu.dma_semaphore, #tpu.memory_space<semaphore_mem>>)
      %dma_wait3A = arith.constant 0 : i32
      %dma_wait3A_162 = tpu.memref_slice %arg2[%mul3A_134, %dma_wait3A] : memref<1280x128xi32, #tpu.memory_space<hbm>> -> memref<40x128xi32, #tpu.memory_space<hbm>>
      %dma_wait3A_163 = arith.constant 0 : i32
      %dma_wait3A_164 = tpu.memref_slice %arg2[%mul3A_134, %dma_wait3A_163] : memref<1280x128xi32, #tpu.memory_space<hbm>> -> memref<40x128xi32, #tpu.memory_space<hbm>>
      tpu.wait_dma2 semaphore(%run_scoped3A : memref<!tpu.dma_semaphore, #tpu.memory_space<semaphore_mem>>) src(%dma_wait3A_164 : memref<40x128xi32, #tpu.memory_space<hbm>>) dst(%arg4 : memref<40x128xi32, #tpu.memory_space<vmem>>)
      tpu.yield
    }) : () -> ()
    %barrier3A = arith.constant 0 : index
    tpu.barrier barrier_id(%barrier3A)
    %scan3A_137 = arith.constant 0 : i32
    %scan3A_138 = arith.constant 0 : i32
    %scan3A_139 = arith.constant 40 : i32
    %scan3A_140 = arith.addi %scan3A_138, %scan3A_139 : i32
    %scan3A_141 = arith.constant 1 : i32
    %scan3A_142 = scf.for %scan3A_159 = %scan3A_138 to %scan3A_140 step %scan3A_141 iter_args(%scan3A_160 = %scan3A_137) -> (i32)  : i32 {
      %lt3A = arith.cmpi slt, %scan3A_159, %min3A_136 : i32
      %convert_element_type3A = arith.extui %lt3A : i1 to i32
      %cond3A = arith.constant 0 : i32
      %cond3A_161 = arith.cmpi ne, %convert_element_type3A, %cond3A : i32
      scf.if %cond3A_161 {
        %dma_start3A = arith.constant 0 : i32
        %dma_start3A_163 = arith.constant 0 : i32
        %dma_start3A_164 = tpu.memref_slice %arg5[%dma_start3A, %dma_start3A_163] : memref<1x128xf32, #tpu.memory_space<vmem>> -> memref<1x128xf32, #tpu.memory_space<vmem>>
        %dma_start3A_165 = tpu.memref_squeeze %dma_start3A_164 : memref<1x128xf32, #tpu.memory_space<vmem>> -> memref<128xf32, #tpu.memory_space<vmem>>
        %dma_start3A_166 = arith.constant 0 : i32
        %dma_start3A_167 = tpu.memref_slice %arg4[%scan3A_159, %dma_start3A_166] : memref<40x128xi32, #tpu.memory_space<vmem>> -> memref<1x128xi32, #tpu.memory_space<vmem>>
        %dma_start3A_168 = tpu.memref_squeeze %dma_start3A_167 : memref<1x128xi32, #tpu.memory_space<vmem>> -> memref<128xi32, #tpu.memory_space<vmem>>
        %dma_start3A_169 = arith.constant 0 : i32
        %dma_start3A_170 = tpu.memref_slice %arg7[%dma_start3A_169] : memref<10240xf32, #tpu.memory_space<vmem_shared>> -> memref<10240xf32, #tpu.memory_space<vmem_shared>>
        tpu.enqueue_indirect_dma source(%dma_start3A_165 : memref<128xf32, #tpu.memory_space<vmem>>) target(%dma_start3A_170 : memref<10240xf32, #tpu.memory_space<vmem_shared>>) offsets(%dma_start3A_168 : memref<128xi32, #tpu.memory_space<vmem>>) semaphore(%arg8 : memref<!tpu.dma_semaphore, #tpu.memory_space<semaphore_mem>>) {add = true}
      } else {
      }
      %scan3A_162 = arith.constant 0 : i32
      scf.yield %scan3A_162 : i32
    }
    %scan3A_143 = arith.constant 40 : i32
    %scan3A_144 = arith.constant 0 : i32
    %scan3A_145 = arith.constant 0 : i32
    %scan3A_146 = arith.constant 40 : i32
    %scan3A_147 = arith.addi %scan3A_145, %scan3A_146 : i32
    %scan3A_148 = arith.constant 1 : i32
    %scan3A_149 = scf.for %scan3A_159 = %scan3A_145 to %scan3A_147 step %scan3A_148 iter_args(%scan3A_160 = %scan3A_144) -> (i32)  : i32 {
      %lt3A = arith.cmpi slt, %scan3A_159, %min3A_136 : i32
      %convert_element_type3A = arith.extui %lt3A : i1 to i32
      %cond3A = arith.constant 0 : i32
      %cond3A_161 = arith.cmpi ne, %convert_element_type3A, %cond3A : i32
      scf.if %cond3A_161 {
        %dma_wait3A = arith.constant 0 : i32
        %dma_wait3A_163 = arith.constant 0 : i32
        %dma_wait3A_164 = arith.constant 0 : i32
        %dma_wait3A_165 = tpu.memref_slice %arg5[%dma_wait3A, %dma_wait3A_164] : memref<1x128xf32, #tpu.memory_space<vmem>> -> memref<1x128xf32, #tpu.memory_space<vmem>>
        %dma_wait3A_166 = tpu.memref_squeeze %dma_wait3A_165 : memref<1x128xf32, #tpu.memory_space<vmem>> -> memref<128xf32, #tpu.memory_space<vmem>>
        %dma_wait3A_167 = arith.constant 0 : i32
        %dma_wait3A_168 = tpu.memref_slice %arg4[%dma_wait3A_163, %dma_wait3A_167] : memref<40x128xi32, #tpu.memory_space<vmem>> -> memref<1x128xi32, #tpu.memory_space<vmem>>
        %dma_wait3A_169 = tpu.memref_squeeze %dma_wait3A_168 : memref<1x128xi32, #tpu.memory_space<vmem>> -> memref<128xi32, #tpu.memory_space<vmem>>
        %dma_wait3A_170 = arith.constant 0 : i32
        %dma_wait3A_171 = tpu.memref_slice %arg7[%dma_wait3A_170] : memref<10240xf32, #tpu.memory_space<vmem_shared>> -> memref<10240xf32, #tpu.memory_space<vmem_shared>>
        tpu.wait_indirect_dma semaphore(%arg8 : memref<!tpu.dma_semaphore, #tpu.memory_space<semaphore_mem>>) src(%dma_wait3A_166 : memref<128xf32, #tpu.memory_space<vmem>>) dst(%dma_wait3A_171 : memref<10240xf32, #tpu.memory_space<vmem_shared>>)
      } else {
      }
      %scan3A_162 = arith.constant 0 : i32
      scf.yield %scan3A_162 : i32
    }
    %scan3A_150 = arith.constant 40 : i32
    %barrier3A_151 = arith.constant 0 : index
    tpu.barrier barrier_id(%barrier3A_151)
    %scan3A_152 = arith.constant 0 : i32
    %scan3A_153 = arith.constant 0 : i32
    %scan3A_154 = arith.constant 5 : i32
    %scan3A_155 = arith.addi %scan3A_153, %scan3A_154 : i32
    %scan3A_156 = arith.constant 1 : i32
    %scan3A_157 = scf.for %scan3A_159 = %scan3A_153 to %scan3A_155 step %scan3A_156 iter_args(%scan3A_160 = %scan3A_152) -> (i32)  : i32 {
      %mul3A_161 = arith.constant 640 : i32
      %mul3A_162 = arith.muli %arg1, %mul3A_161 : i32
      %mul3A_163 = arith.constant 128 : i32
      %mul3A_164 = arith.muli %scan3A_159, %mul3A_163 : i32
      %add3A_165 = arith.addi %mul3A_162, %mul3A_164 : i32
      %run_scoped3A = arith.constant 0 : i32
      "tpu.region"() ({
        %run_scoped3A_171 = tpu.sem_alloc : memref<!tpu.dma_semaphore, #tpu.memory_space<semaphore_mem>>
        %dma_start3A = arith.constant 0 : i32
        %dma_start3A_172 = tpu.memref_slice %arg6[%run_scoped3A, %dma_start3A] : memref<1x128xf32, #tpu.memory_space<vmem>> -> memref<1x128xf32, #tpu.memory_space<vmem>>
        %dma_start3A_173 = tpu.memref_squeeze %dma_start3A_172 : memref<1x128xf32, #tpu.memory_space<vmem>> -> memref<128xf32, #tpu.memory_space<vmem>>
        %dma_start3A_174 = tpu.memref_slice %arg7[%add3A_165] : memref<10240xf32, #tpu.memory_space<vmem_shared>> -> memref<128xf32, #tpu.memory_space<vmem_shared>>
        %dma_start3A_175 = arith.constant 0 : i32
        %dma_start3A_176 = tpu.memref_slice %arg6[%run_scoped3A, %dma_start3A_175] : memref<1x128xf32, #tpu.memory_space<vmem>> -> memref<1x128xf32, #tpu.memory_space<vmem>>
        %dma_start3A_177 = tpu.memref_squeeze %dma_start3A_176 : memref<1x128xf32, #tpu.memory_space<vmem>> -> memref<128xf32, #tpu.memory_space<vmem>>
        %dma_start3A_178 = tpu.memref_slice %arg7[%add3A_165] : memref<10240xf32, #tpu.memory_space<vmem_shared>> -> memref<128xf32, #tpu.memory_space<vmem_shared>>
        tpu.enqueue_dma source(%dma_start3A_178 : memref<128xf32, #tpu.memory_space<vmem_shared>>) target(%dma_start3A_177 : memref<128xf32, #tpu.memory_space<vmem>>) target_semaphore(%run_scoped3A_171 : memref<!tpu.dma_semaphore, #tpu.memory_space<semaphore_mem>>)
        %dma_wait3A = arith.constant 0 : i32
        %dma_wait3A_179 = tpu.memref_slice %arg6[%run_scoped3A, %dma_wait3A] : memref<1x128xf32, #tpu.memory_space<vmem>> -> memref<1x128xf32, #tpu.memory_space<vmem>>
        %dma_wait3A_180 = tpu.memref_squeeze %dma_wait3A_179 : memref<1x128xf32, #tpu.memory_space<vmem>> -> memref<128xf32, #tpu.memory_space<vmem>>
        %dma_wait3A_181 = tpu.memref_slice %arg7[%add3A_165] : memref<10240xf32, #tpu.memory_space<vmem_shared>> -> memref<128xf32, #tpu.memory_space<vmem_shared>>
        %dma_wait3A_182 = arith.constant 0 : i32
        %dma_wait3A_183 = tpu.memref_slice %arg6[%run_scoped3A, %dma_wait3A_182] : memref<1x128xf32, #tpu.memory_space<vmem>> -> memref<1x128xf32, #tpu.memory_space<vmem>>
        %dma_wait3A_184 = tpu.memref_squeeze %dma_wait3A_183 : memref<1x128xf32, #tpu.memory_space<vmem>> -> memref<128xf32, #tpu.memory_space<vmem>>
        %dma_wait3A_185 = tpu.memref_slice %arg7[%add3A_165] : memref<10240xf32, #tpu.memory_space<vmem_shared>> -> memref<128xf32, #tpu.memory_space<vmem_shared>>
        tpu.wait_dma2 semaphore(%run_scoped3A_171 : memref<!tpu.dma_semaphore, #tpu.memory_space<semaphore_mem>>) src(%dma_wait3A_185 : memref<128xf32, #tpu.memory_space<vmem_shared>>) dst(%dma_wait3A_184 : memref<128xf32, #tpu.memory_space<vmem>>)
        tpu.yield
      }) : () -> ()
      %mul3A_166 = arith.constant 10240 : i32
      %mul3A_167 = arith.muli %arg0, %mul3A_166 : i32
      %add3A_168 = arith.addi %mul3A_167, %add3A_165 : i32
      %run_scoped3A_169 = arith.constant 0 : i32
      "tpu.region"() ({
        %run_scoped3A_171 = tpu.sem_alloc : memref<!tpu.dma_semaphore, #tpu.memory_space<semaphore_mem>>
        %dma_start3A = arith.constant 0 : i32
        %dma_start3A_172 = tpu.memref_slice %arg6[%run_scoped3A_169, %dma_start3A] : memref<1x128xf32, #tpu.memory_space<vmem>> -> memref<1x128xf32, #tpu.memory_space<vmem>>
        %dma_start3A_173 = tpu.memref_squeeze %dma_start3A_172 : memref<1x128xf32, #tpu.memory_space<vmem>> -> memref<128xf32, #tpu.memory_space<vmem>>
        %dma_start3A_174 = tpu.memref_slice %arg3[%add3A_168] : memref<20480xf32, #tpu.memory_space<hbm>> -> memref<128xf32, #tpu.memory_space<hbm>>
        %dma_start3A_175 = tpu.memref_slice %arg3[%add3A_168] : memref<20480xf32, #tpu.memory_space<hbm>> -> memref<128xf32, #tpu.memory_space<hbm>>
        %dma_start3A_176 = arith.constant 0 : i32
        %dma_start3A_177 = tpu.memref_slice %arg6[%run_scoped3A_169, %dma_start3A_176] : memref<1x128xf32, #tpu.memory_space<vmem>> -> memref<1x128xf32, #tpu.memory_space<vmem>>
        %dma_start3A_178 = tpu.memref_squeeze %dma_start3A_177 : memref<1x128xf32, #tpu.memory_space<vmem>> -> memref<128xf32, #tpu.memory_space<vmem>>
        tpu.enqueue_dma source(%dma_start3A_178 : memref<128xf32, #tpu.memory_space<vmem>>) target(%dma_start3A_175 : memref<128xf32, #tpu.memory_space<hbm>>) target_semaphore(%run_scoped3A_171 : memref<!tpu.dma_semaphore, #tpu.memory_space<semaphore_mem>>)
        %dma_wait3A = arith.constant 0 : i32
        %dma_wait3A_179 = tpu.memref_slice %arg6[%run_scoped3A_169, %dma_wait3A] : memref<1x128xf32, #tpu.memory_space<vmem>> -> memref<1x128xf32, #tpu.memory_space<vmem>>
        %dma_wait3A_180 = tpu.memref_squeeze %dma_wait3A_179 : memref<1x128xf32, #tpu.memory_space<vmem>> -> memref<128xf32, #tpu.memory_space<vmem>>
        %dma_wait3A_181 = tpu.memref_slice %arg3[%add3A_168] : memref<20480xf32, #tpu.memory_space<hbm>> -> memref<128xf32, #tpu.memory_space<hbm>>
        %dma_wait3A_182 = tpu.memref_slice %arg3[%add3A_168] : memref<20480xf32, #tpu.memory_space<hbm>> -> memref<128xf32, #tpu.memory_space<hbm>>
        %dma_wait3A_183 = arith.constant 0 : i32
        %dma_wait3A_184 = tpu.memref_slice %arg6[%run_scoped3A_169, %dma_wait3A_183] : memref<1x128xf32, #tpu.memory_space<vmem>> -> memref<1x128xf32, #tpu.memory_space<vmem>>
        %dma_wait3A_185 = tpu.memref_squeeze %dma_wait3A_184 : memref<1x128xf32, #tpu.memory_space<vmem>> -> memref<128xf32, #tpu.memory_space<vmem>>
        tpu.wait_dma2 semaphore(%run_scoped3A_171 : memref<!tpu.dma_semaphore, #tpu.memory_space<semaphore_mem>>) src(%dma_wait3A_185 : memref<128xf32, #tpu.memory_space<vmem>>) dst(%dma_wait3A_182 : memref<128xf32, #tpu.memory_space<hbm>>)
        tpu.yield
      }) : () -> ()
      %scan3A_170 = arith.constant 0 : i32
      scf.yield %scan3A_170 : i32
    }
    %scan3A_158 = arith.constant 5 : i32
    return
  }
}

#map = affine_map<(d0, d1) -> (0, 0)>
module attributes {stable_mosaic.version = 14 : i64} {
  func.func @_edge_call(%arg0: i32, %arg1: i32, %arg2: memref<1280x128xi32, #tpu.memory_space<hbm>>, %arg3: memref<1280x128xi32, #tpu.memory_space<hbm>>, %arg4: memref<20000x128xf32, #tpu.memory_space<hbm>>, %arg5: memref<20480x128xf32, #tpu.memory_space<hbm>>, %arg6: memref<40x128xi32, #tpu.memory_space<vmem>>, %arg7: memref<40x128xi32, #tpu.memory_space<vmem>>, %arg8: memref<128x128xf32, #tpu.memory_space<vmem>>, %arg9: memref<128x128xf32, #tpu.memory_space<vmem>>, %arg10: memref<10240x128xf32, #tpu.memory_space<vmem_shared>>, %arg11: memref<!tpu.dma_semaphore, #tpu.memory_space<semaphore_mem>>, %arg12: memref<!tpu.dma_semaphore, #tpu.memory_space<semaphore_mem>>, %arg13: memref<!tpu.dma_semaphore, #tpu.memory_space<semaphore_mem>>, %arg14: memref<!tpu.dma_semaphore, #tpu.memory_space<semaphore_mem>>) attributes {dimension_semantics = [#tpu.dimension_semantics<core_parallel>, #tpu.dimension_semantics<subcore_parallel>], iteration_bounds = array<i64: 2, 16>, scalar_prefetch = 0 : i64, scratch_operands = 9 : i64, tpu.core_type = #tpu.core_type<sc_vector_subcore>, window_params = [{transform_indices = #map}, {transform_indices = #map}, {transform_indices = #map}, {transform_indices = #map}]} {
    %mul3A = arith.constant 80 : i32
    %mul3A_0 = arith.muli %arg1, %mul3A : i32
    %sub3A = arith.constant 1250 : i32
    %sub3A_1 = arith.subi %sub3A, %mul3A_0 : i32
    %min3A = arith.constant 80 : i32
    %min3A_2 = arith.minsi %min3A, %sub3A_1 : i32
    %scan3A = arith.constant 0 : i32
    %scan3A_3 = arith.constant 0 : i32
    %scan3A_4 = arith.constant 128 : i32
    %scan3A_5 = arith.addi %scan3A_3, %scan3A_4 : i32
    %scan3A_6 = arith.constant 1 : i32
    %scan3A_7 = scf.for %scan3A_85 = %scan3A_3 to %scan3A_5 step %scan3A_6 iter_args(%scan3A_86 = %scan3A) -> (i32)  : i32 {
      %broadcast_in_dim3A = arith.constant 0.000000e+00 : f32
      %broadcast_in_dim3A_87 = vector.broadcast %broadcast_in_dim3A : f32 to vector<16xf32>
      %swap3A = arith.index_cast %scan3A_85 : i32 to index
      %swap3A_88 = arith.constant 0 : index
      %swap3A_89 = tpu.vector_load %arg8[%swap3A, %swap3A_88] {strides = array<i32>} : memref<128x128xf32, #tpu.memory_space<vmem>>, vector<1x16xf32>,
      %swap3A_90 = vector.shape_cast %swap3A_89 : vector<1x16xf32> to vector<16xf32>
      %swap3A_91 = vector.shape_cast %broadcast_in_dim3A_87 : vector<16xf32> to vector<1x16xf32>
      tpu.vector_store %arg8[%swap3A, %swap3A_88], %swap3A_91 {strides = array<i32>} : memref<128x128xf32, #tpu.memory_space<vmem>>, vector<1x16xf32>,
      %broadcast_in_dim3A_92 = arith.constant 0.000000e+00 : f32
      %broadcast_in_dim3A_93 = vector.broadcast %broadcast_in_dim3A_92 : f32 to vector<16xf32>
      %swap3A_94 = arith.index_cast %scan3A_85 : i32 to index
      %swap3A_95 = arith.constant 16 : index
      %swap3A_96 = tpu.vector_load %arg8[%swap3A_94, %swap3A_95] {strides = array<i32>} : memref<128x128xf32, #tpu.memory_space<vmem>>, vector<1x16xf32>,
      %swap3A_97 = vector.shape_cast %swap3A_96 : vector<1x16xf32> to vector<16xf32>
      %swap3A_98 = vector.shape_cast %broadcast_in_dim3A_93 : vector<16xf32> to vector<1x16xf32>
      tpu.vector_store %arg8[%swap3A_94, %swap3A_95], %swap3A_98 {strides = array<i32>} : memref<128x128xf32, #tpu.memory_space<vmem>>, vector<1x16xf32>,
      %broadcast_in_dim3A_99 = arith.constant 0.000000e+00 : f32
      %broadcast_in_dim3A_100 = vector.broadcast %broadcast_in_dim3A_99 : f32 to vector<16xf32>
      %swap3A_101 = arith.index_cast %scan3A_85 : i32 to index
      %swap3A_102 = arith.constant 32 : index
      %swap3A_103 = tpu.vector_load %arg8[%swap3A_101, %swap3A_102] {strides = array<i32>} : memref<128x128xf32, #tpu.memory_space<vmem>>, vector<1x16xf32>,
      %swap3A_104 = vector.shape_cast %swap3A_103 : vector<1x16xf32> to vector<16xf32>
      %swap3A_105 = vector.shape_cast %broadcast_in_dim3A_100 : vector<16xf32> to vector<1x16xf32>
      tpu.vector_store %arg8[%swap3A_101, %swap3A_102], %swap3A_105 {strides = array<i32>} : memref<128x128xf32, #tpu.memory_space<vmem>>, vector<1x16xf32>,
      %broadcast_in_dim3A_106 = arith.constant 0.000000e+00 : f32
      %broadcast_in_dim3A_107 = vector.broadcast %broadcast_in_dim3A_106 : f32 to vector<16xf32>
      %swap3A_108 = arith.index_cast %scan3A_85 : i32 to index
      %swap3A_109 = arith.constant 48 : index
      %swap3A_110 = tpu.vector_load %arg8[%swap3A_108, %swap3A_109] {strides = array<i32>} : memref<128x128xf32, #tpu.memory_space<vmem>>, vector<1x16xf32>,
      %swap3A_111 = vector.shape_cast %swap3A_110 : vector<1x16xf32> to vector<16xf32>
      %swap3A_112 = vector.shape_cast %broadcast_in_dim3A_107 : vector<16xf32> to vector<1x16xf32>
      tpu.vector_store %arg8[%swap3A_108, %swap3A_109], %swap3A_112 {strides = array<i32>} : memref<128x128xf32, #tpu.memory_space<vmem>>, vector<1x16xf32>,
      %broadcast_in_dim3A_113 = arith.constant 0.000000e+00 : f32
      %broadcast_in_dim3A_114 = vector.broadcast %broadcast_in_dim3A_113 : f32 to vector<16xf32>
      %swap3A_115 = arith.index_cast %scan3A_85 : i32 to index
      %swap3A_116 = arith.constant 64 : index
      %swap3A_117 = tpu.vector_load %arg8[%swap3A_115, %swap3A_116] {strides = array<i32>} : memref<128x128xf32, #tpu.memory_space<vmem>>, vector<1x16xf32>,
      %swap3A_118 = vector.shape_cast %swap3A_117 : vector<1x16xf32> to vector<16xf32>
      %swap3A_119 = vector.shape_cast %broadcast_in_dim3A_114 : vector<16xf32> to vector<1x16xf32>
      tpu.vector_store %arg8[%swap3A_115, %swap3A_116], %swap3A_119 {strides = array<i32>} : memref<128x128xf32, #tpu.memory_space<vmem>>, vector<1x16xf32>,
      %broadcast_in_dim3A_120 = arith.constant 0.000000e+00 : f32
      %broadcast_in_dim3A_121 = vector.broadcast %broadcast_in_dim3A_120 : f32 to vector<16xf32>
      %swap3A_122 = arith.index_cast %scan3A_85 : i32 to index
      %swap3A_123 = arith.constant 80 : index
      %swap3A_124 = tpu.vector_load %arg8[%swap3A_122, %swap3A_123] {strides = array<i32>} : memref<128x128xf32, #tpu.memory_space<vmem>>, vector<1x16xf32>,
      %swap3A_125 = vector.shape_cast %swap3A_124 : vector<1x16xf32> to vector<16xf32>
      %swap3A_126 = vector.shape_cast %broadcast_in_dim3A_121 : vector<16xf32> to vector<1x16xf32>
      tpu.vector_store %arg8[%swap3A_122, %swap3A_123], %swap3A_126 {strides = array<i32>} : memref<128x128xf32, #tpu.memory_space<vmem>>, vector<1x16xf32>,
      %broadcast_in_dim3A_127 = arith.constant 0.000000e+00 : f32
      %broadcast_in_dim3A_128 = vector.broadcast %broadcast_in_dim3A_127 : f32 to vector<16xf32>
      %swap3A_129 = arith.index_cast %scan3A_85 : i32 to index
      %swap3A_130 = arith.constant 96 : index
      %swap3A_131 = tpu.vector_load %arg8[%swap3A_129, %swap3A_130] {strides = array<i32>} : memref<128x128xf32, #tpu.memory_space<vmem>>, vector<1x16xf32>,
      %swap3A_132 = vector.shape_cast %swap3A_131 : vector<1x16xf32> to vector<16xf32>
      %swap3A_133 = vector.shape_cast %broadcast_in_dim3A_128 : vector<16xf32> to vector<1x16xf32>
      tpu.vector_store %arg8[%swap3A_129, %swap3A_130], %swap3A_133 {strides = array<i32>} : memref<128x128xf32, #tpu.memory_space<vmem>>, vector<1x16xf32>,
      %broadcast_in_dim3A_134 = arith.constant 0.000000e+00 : f32
      %broadcast_in_dim3A_135 = vector.broadcast %broadcast_in_dim3A_134 : f32 to vector<16xf32>
      %swap3A_136 = arith.index_cast %scan3A_85 : i32 to index
      %swap3A_137 = arith.constant 112 : index
      %swap3A_138 = tpu.vector_load %arg8[%swap3A_136, %swap3A_137] {strides = array<i32>} : memref<128x128xf32, #tpu.memory_space<vmem>>, vector<1x16xf32>,
      %swap3A_139 = vector.shape_cast %swap3A_138 : vector<1x16xf32> to vector<16xf32>
      %swap3A_140 = vector.shape_cast %broadcast_in_dim3A_135 : vector<16xf32> to vector<1x16xf32>
      tpu.vector_store %arg8[%swap3A_136, %swap3A_137], %swap3A_140 {strides = array<i32>} : memref<128x128xf32, #tpu.memory_space<vmem>>, vector<1x16xf32>,
      %scan3A_141 = arith.constant 0 : i32
      scf.yield %scan3A_141 : i32
    }
    %scan3A_8 = arith.constant 128 : i32
    %scan3A_9 = arith.constant 0 : i32
    %scan3A_10 = arith.constant 0 : i32
    %scan3A_11 = arith.constant 5 : i32
    %scan3A_12 = arith.addi %scan3A_10, %scan3A_11 : i32
    %scan3A_13 = arith.constant 1 : i32
    %scan3A_14 = scf.for %scan3A_85 = %scan3A_10 to %scan3A_12 step %scan3A_13 iter_args(%scan3A_86 = %scan3A_9) -> (i32)  : i32 {
      %mul3A_87 = arith.constant 640 : i32
      %mul3A_88 = arith.muli %arg1, %mul3A_87 : i32
      %mul3A_89 = arith.constant 128 : i32
      %mul3A_90 = arith.muli %scan3A_85, %mul3A_89 : i32
      %add3A_91 = arith.addi %mul3A_88, %mul3A_90 : i32
      "tpu.region"() ({
        %run_scoped3A = tpu.sem_alloc : memref<!tpu.dma_semaphore, #tpu.memory_space<semaphore_mem>>
        %dma_start3A = arith.constant 0 : i32
        %dma_start3A_93 = tpu.memref_slice %arg10[%add3A_91, %dma_start3A] : memref<10240x128xf32, #tpu.memory_space<vmem_shared>> -> memref<128x128xf32, #tpu.memory_space<vmem_shared>>
        %dma_start3A_94 = arith.constant 0 : i32
        %dma_start3A_95 = tpu.memref_slice %arg10[%add3A_91, %dma_start3A_94] : memref<10240x128xf32, #tpu.memory_space<vmem_shared>> -> memref<128x128xf32, #tpu.memory_space<vmem_shared>>
        tpu.enqueue_dma source(%arg8 : memref<128x128xf32, #tpu.memory_space<vmem>>) target(%dma_start3A_95 : memref<128x128xf32, #tpu.memory_space<vmem_shared>>) target_semaphore(%run_scoped3A : memref<!tpu.dma_semaphore, #tpu.memory_space<semaphore_mem>>)
        %dma_wait3A = arith.constant 0 : i32
        %dma_wait3A_96 = tpu.memref_slice %arg10[%add3A_91, %dma_wait3A] : memref<10240x128xf32, #tpu.memory_space<vmem_shared>> -> memref<128x128xf32, #tpu.memory_space<vmem_shared>>
        %dma_wait3A_97 = arith.constant 0 : i32
        %dma_wait3A_98 = tpu.memref_slice %arg10[%add3A_91, %dma_wait3A_97] : memref<10240x128xf32, #tpu.memory_space<vmem_shared>> -> memref<128x128xf32, #tpu.memory_space<vmem_shared>>
        tpu.wait_dma2 semaphore(%run_scoped3A : memref<!tpu.dma_semaphore, #tpu.memory_space<semaphore_mem>>) src(%arg8 : memref<128x128xf32, #tpu.memory_space<vmem>>) dst(%dma_wait3A_98 : memref<128x128xf32, #tpu.memory_space<vmem_shared>>)
        tpu.yield
      }) : () -> ()
      %scan3A_92 = arith.constant 0 : i32
      scf.yield %scan3A_92 : i32
    }
    %scan3A_15 = arith.constant 5 : i32
    %mul3A_16 = arith.constant 10000 : i32
    %mul3A_17 = arith.muli %arg0, %mul3A_16 : i32
    %barrier3A = arith.constant 0 : index
    tpu.barrier barrier_id(%barrier3A)
    %add3A = arith.constant 0 : i32
    %add3A_18 = arith.addi %mul3A_0, %add3A : i32
    %sub3A_19 = arith.constant 1250 : i32
    %sub3A_20 = arith.subi %sub3A_19, %add3A_18 : i32
    %max3A = arith.constant 0 : i32
    %max3A_21 = arith.maxsi %max3A, %sub3A_20 : i32
    %min3A_22 = arith.constant 40 : i32
    %min3A_23 = arith.minsi %min3A_22, %max3A_21 : i32
    "tpu.region"() ({
      %run_scoped3A = tpu.sem_alloc : memref<!tpu.dma_semaphore, #tpu.memory_space<semaphore_mem>>
      %dma_start3A = arith.constant 0 : i32
      %dma_start3A_85 = tpu.memref_slice %arg2[%add3A_18, %dma_start3A] : memref<1280x128xi32, #tpu.memory_space<hbm>> -> memref<40x128xi32, #tpu.memory_space<hbm>>
      %dma_start3A_86 = arith.constant 0 : i32
      %dma_start3A_87 = tpu.memref_slice %arg2[%add3A_18, %dma_start3A_86] : memref<1280x128xi32, #tpu.memory_space<hbm>> -> memref<40x128xi32, #tpu.memory_space<hbm>>
      tpu.enqueue_dma source(%dma_start3A_87 : memref<40x128xi32, #tpu.memory_space<hbm>>) target(%arg6 : memref<40x128xi32, #tpu.memory_space<vmem>>) target_semaphore(%run_scoped3A : memref<!tpu.dma_semaphore, #tpu.memory_space<semaphore_mem>>)
      %dma_wait3A = arith.constant 0 : i32
      %dma_wait3A_88 = tpu.memref_slice %arg2[%add3A_18, %dma_wait3A] : memref<1280x128xi32, #tpu.memory_space<hbm>> -> memref<40x128xi32, #tpu.memory_space<hbm>>
      %dma_wait3A_89 = arith.constant 0 : i32
      %dma_wait3A_90 = tpu.memref_slice %arg2[%add3A_18, %dma_wait3A_89] : memref<1280x128xi32, #tpu.memory_space<hbm>> -> memref<40x128xi32, #tpu.memory_space<hbm>>
      tpu.wait_dma2 semaphore(%run_scoped3A : memref<!tpu.dma_semaphore, #tpu.memory_space<semaphore_mem>>) src(%dma_wait3A_90 : memref<40x128xi32, #tpu.memory_space<hbm>>) dst(%arg6 : memref<40x128xi32, #tpu.memory_space<vmem>>)
      tpu.yield
    }) : () -> ()
    "tpu.region"() ({
      %run_scoped3A = tpu.sem_alloc : memref<!tpu.dma_semaphore, #tpu.memory_space<semaphore_mem>>
      %dma_start3A = arith.constant 0 : i32
      %dma_start3A_85 = tpu.memref_slice %arg3[%add3A_18, %dma_start3A] : memref<1280x128xi32, #tpu.memory_space<hbm>> -> memref<40x128xi32, #tpu.memory_space<hbm>>
      %dma_start3A_86 = arith.constant 0 : i32
      %dma_start3A_87 = tpu.memref_slice %arg3[%add3A_18, %dma_start3A_86] : memref<1280x128xi32, #tpu.memory_space<hbm>> -> memref<40x128xi32, #tpu.memory_space<hbm>>
      tpu.enqueue_dma source(%dma_start3A_87 : memref<40x128xi32, #tpu.memory_space<hbm>>) target(%arg7 : memref<40x128xi32, #tpu.memory_space<vmem>>) target_semaphore(%run_scoped3A : memref<!tpu.dma_semaphore, #tpu.memory_space<semaphore_mem>>)
      %dma_wait3A = arith.constant 0 : i32
      %dma_wait3A_88 = tpu.memref_slice %arg3[%add3A_18, %dma_wait3A] : memref<1280x128xi32, #tpu.memory_space<hbm>> -> memref<40x128xi32, #tpu.memory_space<hbm>>
      %dma_wait3A_89 = arith.constant 0 : i32
      %dma_wait3A_90 = tpu.memref_slice %arg3[%add3A_18, %dma_wait3A_89] : memref<1280x128xi32, #tpu.memory_space<hbm>> -> memref<40x128xi32, #tpu.memory_space<hbm>>
      tpu.wait_dma2 semaphore(%run_scoped3A : memref<!tpu.dma_semaphore, #tpu.memory_space<semaphore_mem>>) src(%dma_wait3A_90 : memref<40x128xi32, #tpu.memory_space<hbm>>) dst(%arg7 : memref<40x128xi32, #tpu.memory_space<vmem>>)
      tpu.yield
    }) : () -> ()
    %scan3A_24 = arith.constant 0 : i32
    %scan3A_25 = arith.constant 0 : i32
    %scan3A_26 = arith.constant 40 : i32
    %scan3A_27 = arith.addi %scan3A_25, %scan3A_26 : i32
    %scan3A_28 = arith.constant 1 : i32
    %scan3A_29 = scf.for %scan3A_85 = %scan3A_25 to %scan3A_27 step %scan3A_28 iter_args(%scan3A_86 = %scan3A_24) -> (i32)  : i32 {
      %get3A = arith.index_cast %scan3A_85 : i32 to index
      %get3A_87 = arith.constant 0 : index
      %get3A_88 = tpu.vector_load %arg6[%get3A, %get3A_87] {strides = array<i32>} : memref<40x128xi32, #tpu.memory_space<vmem>>, vector<1x16xi32>,
      %get3A_89 = vector.shape_cast %get3A_88 : vector<1x16xi32> to vector<16xi32>
      %add3A_90 = vector.broadcast %mul3A_17 : i32 to vector<16xi32>
      %add3A_91 = arith.addi %get3A_89, %add3A_90 : vector<16xi32>
      %swap3A = arith.index_cast %scan3A_85 : i32 to index
      %swap3A_92 = arith.constant 0 : index
      %swap3A_93 = tpu.vector_load %arg6[%swap3A, %swap3A_92] {strides = array<i32>} : memref<40x128xi32, #tpu.memory_space<vmem>>, vector<1x16xi32>,
      %swap3A_94 = vector.shape_cast %swap3A_93 : vector<1x16xi32> to vector<16xi32>
      %swap3A_95 = vector.shape_cast %add3A_91 : vector<16xi32> to vector<1x16xi32>
      tpu.vector_store %arg6[%swap3A, %swap3A_92], %swap3A_95 {strides = array<i32>} : memref<40x128xi32, #tpu.memory_space<vmem>>, vector<1x16xi32>,
      %get3A_96 = arith.index_cast %scan3A_85 : i32 to index
      %get3A_97 = arith.constant 16 : index
      %get3A_98 = tpu.vector_load %arg6[%get3A_96, %get3A_97] {strides = array<i32>} : memref<40x128xi32, #tpu.memory_space<vmem>>, vector<1x16xi32>,
      %get3A_99 = vector.shape_cast %get3A_98 : vector<1x16xi32> to vector<16xi32>
      %add3A_100 = vector.broadcast %mul3A_17 : i32 to vector<16xi32>
      %add3A_101 = arith.addi %get3A_99, %add3A_100 : vector<16xi32>
      %swap3A_102 = arith.index_cast %scan3A_85 : i32 to index
      %swap3A_103 = arith.constant 16 : index
      %swap3A_104 = tpu.vector_load %arg6[%swap3A_102, %swap3A_103] {strides = array<i32>} : memref<40x128xi32, #tpu.memory_space<vmem>>, vector<1x16xi32>,
      %swap3A_105 = vector.shape_cast %swap3A_104 : vector<1x16xi32> to vector<16xi32>
      %swap3A_106 = vector.shape_cast %add3A_101 : vector<16xi32> to vector<1x16xi32>
      tpu.vector_store %arg6[%swap3A_102, %swap3A_103], %swap3A_106 {strides = array<i32>} : memref<40x128xi32, #tpu.memory_space<vmem>>, vector<1x16xi32>,
      %get3A_107 = arith.index_cast %scan3A_85 : i32 to index
      %get3A_108 = arith.constant 32 : index
      %get3A_109 = tpu.vector_load %arg6[%get3A_107, %get3A_108] {strides = array<i32>} : memref<40x128xi32, #tpu.memory_space<vmem>>, vector<1x16xi32>,
      %get3A_110 = vector.shape_cast %get3A_109 : vector<1x16xi32> to vector<16xi32>
      %add3A_111 = vector.broadcast %mul3A_17 : i32 to vector<16xi32>
      %add3A_112 = arith.addi %get3A_110, %add3A_111 : vector<16xi32>
      %swap3A_113 = arith.index_cast %scan3A_85 : i32 to index
      %swap3A_114 = arith.constant 32 : index
      %swap3A_115 = tpu.vector_load %arg6[%swap3A_113, %swap3A_114] {strides = array<i32>} : memref<40x128xi32, #tpu.memory_space<vmem>>, vector<1x16xi32>,
      %swap3A_116 = vector.shape_cast %swap3A_115 : vector<1x16xi32> to vector<16xi32>
      %swap3A_117 = vector.shape_cast %add3A_112 : vector<16xi32> to vector<1x16xi32>
      tpu.vector_store %arg6[%swap3A_113, %swap3A_114], %swap3A_117 {strides = array<i32>} : memref<40x128xi32, #tpu.memory_space<vmem>>, vector<1x16xi32>,
      %get3A_118 = arith.index_cast %scan3A_85 : i32 to index
      %get3A_119 = arith.constant 48 : index
      %get3A_120 = tpu.vector_load %arg6[%get3A_118, %get3A_119] {strides = array<i32>} : memref<40x128xi32, #tpu.memory_space<vmem>>, vector<1x16xi32>,
      %get3A_121 = vector.shape_cast %get3A_120 : vector<1x16xi32> to vector<16xi32>
      %add3A_122 = vector.broadcast %mul3A_17 : i32 to vector<16xi32>
      %add3A_123 = arith.addi %get3A_121, %add3A_122 : vector<16xi32>
      %swap3A_124 = arith.index_cast %scan3A_85 : i32 to index
      %swap3A_125 = arith.constant 48 : index
      %swap3A_126 = tpu.vector_load %arg6[%swap3A_124, %swap3A_125] {strides = array<i32>} : memref<40x128xi32, #tpu.memory_space<vmem>>, vector<1x16xi32>,
      %swap3A_127 = vector.shape_cast %swap3A_126 : vector<1x16xi32> to vector<16xi32>
      %swap3A_128 = vector.shape_cast %add3A_123 : vector<16xi32> to vector<1x16xi32>
      tpu.vector_store %arg6[%swap3A_124, %swap3A_125], %swap3A_128 {strides = array<i32>} : memref<40x128xi32, #tpu.memory_space<vmem>>, vector<1x16xi32>,
      %get3A_129 = arith.index_cast %scan3A_85 : i32 to index
      %get3A_130 = arith.constant 64 : index
      %get3A_131 = tpu.vector_load %arg6[%get3A_129, %get3A_130] {strides = array<i32>} : memref<40x128xi32, #tpu.memory_space<vmem>>, vector<1x16xi32>,
      %get3A_132 = vector.shape_cast %get3A_131 : vector<1x16xi32> to vector<16xi32>
      %add3A_133 = vector.broadcast %mul3A_17 : i32 to vector<16xi32>
      %add3A_134 = arith.addi %get3A_132, %add3A_133 : vector<16xi32>
      %swap3A_135 = arith.index_cast %scan3A_85 : i32 to index
      %swap3A_136 = arith.constant 64 : index
      %swap3A_137 = tpu.vector_load %arg6[%swap3A_135, %swap3A_136] {strides = array<i32>} : memref<40x128xi32, #tpu.memory_space<vmem>>, vector<1x16xi32>,
      %swap3A_138 = vector.shape_cast %swap3A_137 : vector<1x16xi32> to vector<16xi32>
      %swap3A_139 = vector.shape_cast %add3A_134 : vector<16xi32> to vector<1x16xi32>
      tpu.vector_store %arg6[%swap3A_135, %swap3A_136], %swap3A_139 {strides = array<i32>} : memref<40x128xi32, #tpu.memory_space<vmem>>, vector<1x16xi32>,
      %get3A_140 = arith.index_cast %scan3A_85 : i32 to index
      %get3A_141 = arith.constant 80 : index
      %get3A_142 = tpu.vector_load %arg6[%get3A_140, %get3A_141] {strides = array<i32>} : memref<40x128xi32, #tpu.memory_space<vmem>>, vector<1x16xi32>,
      %get3A_143 = vector.shape_cast %get3A_142 : vector<1x16xi32> to vector<16xi32>
      %add3A_144 = vector.broadcast %mul3A_17 : i32 to vector<16xi32>
      %add3A_145 = arith.addi %get3A_143, %add3A_144 : vector<16xi32>
      %swap3A_146 = arith.index_cast %scan3A_85 : i32 to index
      %swap3A_147 = arith.constant 80 : index
      %swap3A_148 = tpu.vector_load %arg6[%swap3A_146, %swap3A_147] {strides = array<i32>} : memref<40x128xi32, #tpu.memory_space<vmem>>, vector<1x16xi32>,
      %swap3A_149 = vector.shape_cast %swap3A_148 : vector<1x16xi32> to vector<16xi32>
      %swap3A_150 = vector.shape_cast %add3A_145 : vector<16xi32> to vector<1x16xi32>
      tpu.vector_store %arg6[%swap3A_146, %swap3A_147], %swap3A_150 {strides = array<i32>} : memref<40x128xi32, #tpu.memory_space<vmem>>, vector<1x16xi32>,
      %get3A_151 = arith.index_cast %scan3A_85 : i32 to index
      %get3A_152 = arith.constant 96 : index
      %get3A_153 = tpu.vector_load %arg6[%get3A_151, %get3A_152] {strides = array<i32>} : memref<40x128xi32, #tpu.memory_space<vmem>>, vector<1x16xi32>,
      %get3A_154 = vector.shape_cast %get3A_153 : vector<1x16xi32> to vector<16xi32>
      %add3A_155 = vector.broadcast %mul3A_17 : i32 to vector<16xi32>
      %add3A_156 = arith.addi %get3A_154, %add3A_155 : vector<16xi32>
      %swap3A_157 = arith.index_cast %scan3A_85 : i32 to index
      %swap3A_158 = arith.constant 96 : index
      %swap3A_159 = tpu.vector_load %arg6[%swap3A_157, %swap3A_158] {strides = array<i32>} : memref<40x128xi32, #tpu.memory_space<vmem>>, vector<1x16xi32>,
      %swap3A_160 = vector.shape_cast %swap3A_159 : vector<1x16xi32> to vector<16xi32>
      %swap3A_161 = vector.shape_cast %add3A_156 : vector<16xi32> to vector<1x16xi32>
      tpu.vector_store %arg6[%swap3A_157, %swap3A_158], %swap3A_161 {strides = array<i32>} : memref<40x128xi32, #tpu.memory_space<vmem>>, vector<1x16xi32>,
      %get3A_162 = arith.index_cast %scan3A_85 : i32 to index
      %get3A_163 = arith.constant 112 : index
      %get3A_164 = tpu.vector_load %arg6[%get3A_162, %get3A_163] {strides = array<i32>} : memref<40x128xi32, #tpu.memory_space<vmem>>, vector<1x16xi32>,
      %get3A_165 = vector.shape_cast %get3A_164 : vector<1x16xi32> to vector<16xi32>
      %add3A_166 = vector.broadcast %mul3A_17 : i32 to vector<16xi32>
      %add3A_167 = arith.addi %get3A_165, %add3A_166 : vector<16xi32>
      %swap3A_168 = arith.index_cast %scan3A_85 : i32 to index
      %swap3A_169 = arith.constant 112 : index
      %swap3A_170 = tpu.vector_load %arg6[%swap3A_168, %swap3A_169] {strides = array<i32>} : memref<40x128xi32, #tpu.memory_space<vmem>>, vector<1x16xi32>,
      %swap3A_171 = vector.shape_cast %swap3A_170 : vector<1x16xi32> to vector<16xi32>
      %swap3A_172 = vector.shape_cast %add3A_167 : vector<16xi32> to vector<1x16xi32>
      tpu.vector_store %arg6[%swap3A_168, %swap3A_169], %swap3A_172 {strides = array<i32>} : memref<40x128xi32, #tpu.memory_space<vmem>>, vector<1x16xi32>,
      %scan3A_173 = arith.constant 0 : i32
      scf.yield %scan3A_173 : i32
    }
    %scan3A_30 = arith.constant 40 : i32
    %gt3A = arith.constant 0 : i32
    %gt3A_31 = arith.cmpi sgt, %min3A_23, %gt3A : i32
    %convert_element_type3A = arith.extui %gt3A_31 : i1 to i32
    %cond3A = arith.constant 0 : i32
    %cond3A_32 = arith.cmpi ne, %convert_element_type3A, %cond3A : i32
    scf.if %cond3A_32 {
      %dma_start3A = arith.constant 0 : i32
      %dma_start3A_85 = arith.constant 0 : i32
      %dma_start3A_86 = tpu.memref_slice %arg6[%dma_start3A, %dma_start3A_85] : memref<40x128xi32, #tpu.memory_space<vmem>> -> memref<1x128xi32, #tpu.memory_space<vmem>>
      %dma_start3A_87 = tpu.memref_squeeze %dma_start3A_86 : memref<1x128xi32, #tpu.memory_space<vmem>> -> memref<128xi32, #tpu.memory_space<vmem>>
      %dma_start3A_88 = arith.constant 0 : i32
      %dma_start3A_89 = arith.constant 0 : i32
      %dma_start3A_90 = tpu.memref_slice %arg4[%dma_start3A_88, %dma_start3A_89] : memref<20000x128xf32, #tpu.memory_space<hbm>> -> memref<20000x128xf32, #tpu.memory_space<hbm>>
      tpu.enqueue_indirect_dma source(%dma_start3A_90 : memref<20000x128xf32, #tpu.memory_space<hbm>>) target(%arg8 : memref<128x128xf32, #tpu.memory_space<vmem>>) offsets(%dma_start3A_87 : memref<128xi32, #tpu.memory_space<vmem>>) semaphore(%arg11 : memref<!tpu.dma_semaphore, #tpu.memory_space<semaphore_mem>>)
    } else {
    }
    %gt3A_33 = arith.constant 1 : i32
    %gt3A_34 = arith.cmpi sgt, %min3A_23, %gt3A_33 : i32
    %convert_element_type3A_35 = arith.extui %gt3A_34 : i1 to i32
    %cond3A_36 = arith.constant 0 : i32
    %cond3A_37 = arith.cmpi ne, %convert_element_type3A_35, %cond3A_36 : i32
    scf.if %cond3A_37 {
      %dma_start3A = arith.constant 1 : i32
      %dma_start3A_85 = arith.constant 0 : i32
      %dma_start3A_86 = tpu.memref_slice %arg6[%dma_start3A, %dma_start3A_85] : memref<40x128xi32, #tpu.memory_space<vmem>> -> memref<1x128xi32, #tpu.memory_space<vmem>>
      %dma_start3A_87 = tpu.memref_squeeze %dma_start3A_86 : memref<1x128xi32, #tpu.memory_space<vmem>> -> memref<128xi32, #tpu.memory_space<vmem>>
      %dma_start3A_88 = arith.constant 0 : i32
      %dma_start3A_89 = arith.constant 0 : i32
      %dma_start3A_90 = tpu.memref_slice %arg4[%dma_start3A_88, %dma_start3A_89] : memref<20000x128xf32, #tpu.memory_space<hbm>> -> memref<20000x128xf32, #tpu.memory_space<hbm>>
      tpu.enqueue_indirect_dma source(%dma_start3A_90 : memref<20000x128xf32, #tpu.memory_space<hbm>>) target(%arg9 : memref<128x128xf32, #tpu.memory_space<vmem>>) offsets(%dma_start3A_87 : memref<128xi32, #tpu.memory_space<vmem>>) semaphore(%arg12 : memref<!tpu.dma_semaphore, #tpu.memory_space<semaphore_mem>>)
    } else {
    }
    %scan3A_38 = arith.constant 0 : i32
    %scan3A_39 = arith.constant 0 : i32
    %scan3A_40 = arith.constant 20 : i32
    %scan3A_41 = arith.addi %scan3A_39, %scan3A_40 : i32
    %scan3A_42 = arith.constant 1 : i32
    %scan3A_43 = scf.for %scan3A_85 = %scan3A_39 to %scan3A_41 step %scan3A_42 iter_args(%scan3A_86 = %scan3A_38) -> (i32)  : i32 {
      %mul3A_87 = arith.constant 2 : i32
      %mul3A_88 = arith.muli %scan3A_85, %mul3A_87 : i32
      %add3A_89 = arith.constant 0 : i32
      %add3A_90 = arith.addi %mul3A_88, %add3A_89 : i32
      %lt3A = arith.cmpi slt, %add3A_90, %min3A_23 : i32
      %convert_element_type3A_91 = arith.extui %lt3A : i1 to i32
      %cond3A_92 = arith.constant 0 : i32
      %cond3A_93 = arith.cmpi ne, %convert_element_type3A_91, %cond3A_92 : i32
      scf.if %cond3A_93 {
        %dma_wait3A = arith.constant 0 : i32
        %dma_wait3A_129 = arith.constant 0 : i32
        %dma_wait3A_130 = tpu.memref_slice %arg6[%dma_wait3A, %dma_wait3A_129] : memref<40x128xi32, #tpu.memory_space<vmem>> -> memref<1x128xi32, #tpu.memory_space<vmem>>
        %dma_wait3A_131 = tpu.memref_squeeze %dma_wait3A_130 : memref<1x128xi32, #tpu.memory_space<vmem>> -> memref<128xi32, #tpu.memory_space<vmem>>
        %dma_wait3A_132 = arith.constant 0 : i32
        %dma_wait3A_133 = arith.constant 0 : i32
        %dma_wait3A_134 = tpu.memref_slice %arg4[%dma_wait3A_132, %dma_wait3A_133] : memref<20000x128xf32, #tpu.memory_space<hbm>> -> memref<20000x128xf32, #tpu.memory_space<hbm>>
        tpu.wait_indirect_dma semaphore(%arg11 : memref<!tpu.dma_semaphore, #tpu.memory_space<semaphore_mem>>) src(%dma_wait3A_134 : memref<20000x128xf32, #tpu.memory_space<hbm>>) dst(%arg8 : memref<128x128xf32, #tpu.memory_space<vmem>>)
        %add3A_135 = arith.constant 0 : i32
        %add3A_136 = arith.addi %mul3A_88, %add3A_135 : i32
        %dma_start3A = arith.constant 0 : i32
        %dma_start3A_137 = tpu.memref_slice %arg7[%add3A_136, %dma_start3A] : memref<40x128xi32, #tpu.memory_space<vmem>> -> memref<1x128xi32, #tpu.memory_space<vmem>>
        %dma_start3A_138 = tpu.memref_squeeze %dma_start3A_137 : memref<1x128xi32, #tpu.memory_space<vmem>> -> memref<128xi32, #tpu.memory_space<vmem>>
        %dma_start3A_139 = arith.constant 0 : i32
        %dma_start3A_140 = arith.constant 0 : i32
        %dma_start3A_141 = tpu.memref_slice %arg10[%dma_start3A_139, %dma_start3A_140] : memref<10240x128xf32, #tpu.memory_space<vmem_shared>> -> memref<10240x128xf32, #tpu.memory_space<vmem_shared>>
        tpu.enqueue_indirect_dma source(%arg8 : memref<128x128xf32, #tpu.memory_space<vmem>>) target(%dma_start3A_141 : memref<10240x128xf32, #tpu.memory_space<vmem_shared>>) offsets(%dma_start3A_138 : memref<128xi32, #tpu.memory_space<vmem>>) semaphore(%arg13 : memref<!tpu.dma_semaphore, #tpu.memory_space<semaphore_mem>>) {add = true}
      } else {
      }
      %add3A_94 = arith.constant 1 : i32
      %add3A_95 = arith.addi %mul3A_88, %add3A_94 : i32
      %lt3A_96 = arith.cmpi slt, %add3A_95, %min3A_23 : i32
      %convert_element_type3A_97 = arith.extui %lt3A_96 : i1 to i32
      %cond3A_98 = arith.constant 0 : i32
      %cond3A_99 = arith.cmpi ne, %convert_element_type3A_97, %cond3A_98 : i32
      scf.if %cond3A_99 {
        %dma_wait3A = arith.constant 0 : i32
        %dma_wait3A_129 = arith.constant 0 : i32
        %dma_wait3A_130 = tpu.memref_slice %arg6[%dma_wait3A, %dma_wait3A_129] : memref<40x128xi32, #tpu.memory_space<vmem>> -> memref<1x128xi32, #tpu.memory_space<vmem>>
        %dma_wait3A_131 = tpu.memref_squeeze %dma_wait3A_130 : memref<1x128xi32, #tpu.memory_space<vmem>> -> memref<128xi32, #tpu.memory_space<vmem>>
        %dma_wait3A_132 = arith.constant 0 : i32
        %dma_wait3A_133 = arith.constant 0 : i32
        %dma_wait3A_134 = tpu.memref_slice %arg4[%dma_wait3A_132, %dma_wait3A_133] : memref<20000x128xf32, #tpu.memory_space<hbm>> -> memref<20000x128xf32, #tpu.memory_space<hbm>>
        tpu.wait_indirect_dma semaphore(%arg12 : memref<!tpu.dma_semaphore, #tpu.memory_space<semaphore_mem>>) src(%dma_wait3A_134 : memref<20000x128xf32, #tpu.memory_space<hbm>>) dst(%arg9 : memref<128x128xf32, #tpu.memory_space<vmem>>)
        %add3A_135 = arith.constant 1 : i32
        %add3A_136 = arith.addi %mul3A_88, %add3A_135 : i32
        %dma_start3A = arith.constant 0 : i32
        %dma_start3A_137 = tpu.memref_slice %arg7[%add3A_136, %dma_start3A] : memref<40x128xi32, #tpu.memory_space<vmem>> -> memref<1x128xi32, #tpu.memory_space<vmem>>
        %dma_start3A_138 = tpu.memref_squeeze %dma_start3A_137 : memref<1x128xi32, #tpu.memory_space<vmem>> -> memref<128xi32, #tpu.memory_space<vmem>>
        %dma_start3A_139 = arith.constant 0 : i32
        %dma_start3A_140 = arith.constant 0 : i32
        %dma_start3A_141 = tpu.memref_slice %arg10[%dma_start3A_139, %dma_start3A_140] : memref<10240x128xf32, #tpu.memory_space<vmem_shared>> -> memref<10240x128xf32, #tpu.memory_space<vmem_shared>>
        tpu.enqueue_indirect_dma source(%arg9 : memref<128x128xf32, #tpu.memory_space<vmem>>) target(%dma_start3A_141 : memref<10240x128xf32, #tpu.memory_space<vmem_shared>>) offsets(%dma_start3A_138 : memref<128xi32, #tpu.memory_space<vmem>>) semaphore(%arg14 : memref<!tpu.dma_semaphore, #tpu.memory_space<semaphore_mem>>) {add = true}
      } else {
      }
      %add3A_100 = arith.constant 0 : i32
      %add3A_101 = arith.addi %mul3A_88, %add3A_100 : i32
      %lt3A_102 = arith.cmpi slt, %add3A_101, %min3A_23 : i32
      %convert_element_type3A_103 = arith.extui %lt3A_102 : i1 to i32
      %cond3A_104 = arith.constant 0 : i32
      %cond3A_105 = arith.cmpi ne, %convert_element_type3A_103, %cond3A_104 : i32
      scf.if %cond3A_105 {
        %dma_wait3A = arith.constant 0 : i32
        %dma_wait3A_129 = arith.constant 0 : i32
        %dma_wait3A_130 = tpu.memref_slice %arg7[%dma_wait3A, %dma_wait3A_129] : memref<40x128xi32, #tpu.memory_space<vmem>> -> memref<1x128xi32, #tpu.memory_space<vmem>>
        %dma_wait3A_131 = tpu.memref_squeeze %dma_wait3A_130 : memref<1x128xi32, #tpu.memory_space<vmem>> -> memref<128xi32, #tpu.memory_space<vmem>>
        %dma_wait3A_132 = arith.constant 0 : i32
        %dma_wait3A_133 = arith.constant 0 : i32
        %dma_wait3A_134 = tpu.memref_slice %arg10[%dma_wait3A_132, %dma_wait3A_133] : memref<10240x128xf32, #tpu.memory_space<vmem_shared>> -> memref<10240x128xf32, #tpu.memory_space<vmem_shared>>
        tpu.wait_indirect_dma semaphore(%arg13 : memref<!tpu.dma_semaphore, #tpu.memory_space<semaphore_mem>>) src(%arg8 : memref<128x128xf32, #tpu.memory_space<vmem>>) dst(%dma_wait3A_134 : memref<10240x128xf32, #tpu.memory_space<vmem_shared>>)
      } else {
      }
      %add3A_106 = arith.constant 0 : i32
      %add3A_107 = arith.addi %mul3A_88, %add3A_106 : i32
      %add3A_108 = arith.constant 2 : i32
      %add3A_109 = arith.addi %add3A_107, %add3A_108 : i32
      %lt3A_110 = arith.cmpi slt, %add3A_109, %min3A_23 : i32
      %convert_element_type3A_111 = arith.extui %lt3A_110 : i1 to i32
      %cond3A_112 = arith.constant 0 : i32
      %cond3A_113 = arith.cmpi ne, %convert_element_type3A_111, %cond3A_112 : i32
      scf.if %cond3A_113 {
        %add3A_129 = arith.constant 0 : i32
        %add3A_130 = arith.addi %mul3A_88, %add3A_129 : i32
        %add3A_131 = arith.constant 2 : i32
        %add3A_132 = arith.addi %add3A_130, %add3A_131 : i32
        %dma_start3A = arith.constant 0 : i32
        %dma_start3A_133 = tpu.memref_slice %arg6[%add3A_132, %dma_start3A] : memref<40x128xi32, #tpu.memory_space<vmem>> -> memref<1x128xi32, #tpu.memory_space<vmem>>
        %dma_start3A_134 = tpu.memref_squeeze %dma_start3A_133 : memref<1x128xi32, #tpu.memory_space<vmem>> -> memref<128xi32, #tpu.memory_space<vmem>>
        %dma_start3A_135 = arith.constant 0 : i32
        %dma_start3A_136 = arith.constant 0 : i32
        %dma_start3A_137 = tpu.memref_slice %arg4[%dma_start3A_135, %dma_start3A_136] : memref<20000x128xf32, #tpu.memory_space<hbm>> -> memref<20000x128xf32, #tpu.memory_space<hbm>>
        tpu.enqueue_indirect_dma source(%dma_start3A_137 : memref<20000x128xf32, #tpu.memory_space<hbm>>) target(%arg8 : memref<128x128xf32, #tpu.memory_space<vmem>>) offsets(%dma_start3A_134 : memref<128xi32, #tpu.memory_space<vmem>>) semaphore(%arg11 : memref<!tpu.dma_semaphore, #tpu.memory_space<semaphore_mem>>)
      } else {
      }
      %add3A_114 = arith.constant 1 : i32
      %add3A_115 = arith.addi %mul3A_88, %add3A_114 : i32
      %lt3A_116 = arith.cmpi slt, %add3A_115, %min3A_23 : i32
      %convert_element_type3A_117 = arith.extui %lt3A_116 : i1 to i32
      %cond3A_118 = arith.constant 0 : i32
      %cond3A_119 = arith.cmpi ne, %convert_element_type3A_117, %cond3A_118 : i32
      scf.if %cond3A_119 {
        %dma_wait3A = arith.constant 0 : i32
        %dma_wait3A_129 = arith.constant 0 : i32
        %dma_wait3A_130 = tpu.memref_slice %arg7[%dma_wait3A, %dma_wait3A_129] : memref<40x128xi32, #tpu.memory_space<vmem>> -> memref<1x128xi32, #tpu.memory_space<vmem>>
        %dma_wait3A_131 = tpu.memref_squeeze %dma_wait3A_130 : memref<1x128xi32, #tpu.memory_space<vmem>> -> memref<128xi32, #tpu.memory_space<vmem>>
        %dma_wait3A_132 = arith.constant 0 : i32
        %dma_wait3A_133 = arith.constant 0 : i32
        %dma_wait3A_134 = tpu.memref_slice %arg10[%dma_wait3A_132, %dma_wait3A_133] : memref<10240x128xf32, #tpu.memory_space<vmem_shared>> -> memref<10240x128xf32, #tpu.memory_space<vmem_shared>>
        tpu.wait_indirect_dma semaphore(%arg14 : memref<!tpu.dma_semaphore, #tpu.memory_space<semaphore_mem>>) src(%arg9 : memref<128x128xf32, #tpu.memory_space<vmem>>) dst(%dma_wait3A_134 : memref<10240x128xf32, #tpu.memory_space<vmem_shared>>)
      } else {
      }
      %add3A_120 = arith.constant 1 : i32
      %add3A_121 = arith.addi %mul3A_88, %add3A_120 : i32
      %add3A_122 = arith.constant 2 : i32
      %add3A_123 = arith.addi %add3A_121, %add3A_122 : i32
      %lt3A_124 = arith.cmpi slt, %add3A_123, %min3A_23 : i32
      %convert_element_type3A_125 = arith.extui %lt3A_124 : i1 to i32
      %cond3A_126 = arith.constant 0 : i32
      %cond3A_127 = arith.cmpi ne, %convert_element_type3A_125, %cond3A_126 : i32
      scf.if %cond3A_127 {
        %add3A_129 = arith.constant 1 : i32
        %add3A_130 = arith.addi %mul3A_88, %add3A_129 : i32
        %add3A_131 = arith.constant 2 : i32
        %add3A_132 = arith.addi %add3A_130, %add3A_131 : i32
        %dma_start3A = arith.constant 0 : i32
        %dma_start3A_133 = tpu.memref_slice %arg6[%add3A_132, %dma_start3A] : memref<40x128xi32, #tpu.memory_space<vmem>> -> memref<1x128xi32, #tpu.memory_space<vmem>>
        %dma_start3A_134 = tpu.memref_squeeze %dma_start3A_133 : memref<1x128xi32, #tpu.memory_space<vmem>> -> memref<128xi32, #tpu.memory_space<vmem>>
        %dma_start3A_135 = arith.constant 0 : i32
        %dma_start3A_136 = arith.constant 0 : i32
        %dma_start3A_137 = tpu.memref_slice %arg4[%dma_start3A_135, %dma_start3A_136] : memref<20000x128xf32, #tpu.memory_space<hbm>> -> memref<20000x128xf32, #tpu.memory_space<hbm>>
        tpu.enqueue_indirect_dma source(%dma_start3A_137 : memref<20000x128xf32, #tpu.memory_space<hbm>>) target(%arg9 : memref<128x128xf32, #tpu.memory_space<vmem>>) offsets(%dma_start3A_134 : memref<128xi32, #tpu.memory_space<vmem>>) semaphore(%arg12 : memref<!tpu.dma_semaphore, #tpu.memory_space<semaphore_mem>>)
      } else {
      }
      %scan3A_128 = arith.constant 0 : i32
      scf.yield %scan3A_128 : i32
    }
    %scan3A_44 = arith.constant 20 : i32
    %add3A_45 = arith.constant 40 : i32
    %add3A_46 = arith.addi %mul3A_0, %add3A_45 : i32
    %sub3A_47 = arith.constant 1250 : i32
    %sub3A_48 = arith.subi %sub3A_47, %add3A_46 : i32
    %max3A_49 = arith.constant 0 : i32
    %max3A_50 = arith.maxsi %max3A_49, %sub3A_48 : i32
    %min3A_51 = arith.constant 40 : i32
    %min3A_52 = arith.minsi %min3A_51, %max3A_50 : i32
    "tpu.region"() ({
      %run_scoped3A = tpu.sem_alloc : memref<!tpu.dma_semaphore, #tpu.memory_space<semaphore_mem>>
      %dma_start3A = arith.constant 0 : i32
      %dma_start3A_85 = tpu.memref_slice %arg2[%add3A_46, %dma_start3A] : memref<1280x128xi32, #tpu.memory_space<hbm>> -> memref<40x128xi32, #tpu.memory_space<hbm>>
      %dma_start3A_86 = arith.constant 0 : i32
      %dma_start3A_87 = tpu.memref_slice %arg2[%add3A_46, %dma_start3A_86] : memref<1280x128xi32, #tpu.memory_space<hbm>> -> memref<40x128xi32, #tpu.memory_space<hbm>>
      tpu.enqueue_dma source(%dma_start3A_87 : memref<40x128xi32, #tpu.memory_space<hbm>>) target(%arg6 : memref<40x128xi32, #tpu.memory_space<vmem>>) target_semaphore(%run_scoped3A : memref<!tpu.dma_semaphore, #tpu.memory_space<semaphore_mem>>)
      %dma_wait3A = arith.constant 0 : i32
      %dma_wait3A_88 = tpu.memref_slice %arg2[%add3A_46, %dma_wait3A] : memref<1280x128xi32, #tpu.memory_space<hbm>> -> memref<40x128xi32, #tpu.memory_space<hbm>>
      %dma_wait3A_89 = arith.constant 0 : i32
      %dma_wait3A_90 = tpu.memref_slice %arg2[%add3A_46, %dma_wait3A_89] : memref<1280x128xi32, #tpu.memory_space<hbm>> -> memref<40x128xi32, #tpu.memory_space<hbm>>
      tpu.wait_dma2 semaphore(%run_scoped3A : memref<!tpu.dma_semaphore, #tpu.memory_space<semaphore_mem>>) src(%dma_wait3A_90 : memref<40x128xi32, #tpu.memory_space<hbm>>) dst(%arg6 : memref<40x128xi32, #tpu.memory_space<vmem>>)
      tpu.yield
    }) : () -> ()
    "tpu.region"() ({
      %run_scoped3A = tpu.sem_alloc : memref<!tpu.dma_semaphore, #tpu.memory_space<semaphore_mem>>
      %dma_start3A = arith.constant 0 : i32
      %dma_start3A_85 = tpu.memref_slice %arg3[%add3A_46, %dma_start3A] : memref<1280x128xi32, #tpu.memory_space<hbm>> -> memref<40x128xi32, #tpu.memory_space<hbm>>
      %dma_start3A_86 = arith.constant 0 : i32
      %dma_start3A_87 = tpu.memref_slice %arg3[%add3A_46, %dma_start3A_86] : memref<1280x128xi32, #tpu.memory_space<hbm>> -> memref<40x128xi32, #tpu.memory_space<hbm>>
      tpu.enqueue_dma source(%dma_start3A_87 : memref<40x128xi32, #tpu.memory_space<hbm>>) target(%arg7 : memref<40x128xi32, #tpu.memory_space<vmem>>) target_semaphore(%run_scoped3A : memref<!tpu.dma_semaphore, #tpu.memory_space<semaphore_mem>>)
      %dma_wait3A = arith.constant 0 : i32
      %dma_wait3A_88 = tpu.memref_slice %arg3[%add3A_46, %dma_wait3A] : memref<1280x128xi32, #tpu.memory_space<hbm>> -> memref<40x128xi32, #tpu.memory_space<hbm>>
      %dma_wait3A_89 = arith.constant 0 : i32
      %dma_wait3A_90 = tpu.memref_slice %arg3[%add3A_46, %dma_wait3A_89] : memref<1280x128xi32, #tpu.memory_space<hbm>> -> memref<40x128xi32, #tpu.memory_space<hbm>>
      tpu.wait_dma2 semaphore(%run_scoped3A : memref<!tpu.dma_semaphore, #tpu.memory_space<semaphore_mem>>) src(%dma_wait3A_90 : memref<40x128xi32, #tpu.memory_space<hbm>>) dst(%arg7 : memref<40x128xi32, #tpu.memory_space<vmem>>)
      tpu.yield
    }) : () -> ()
    %scan3A_53 = arith.constant 0 : i32
    %scan3A_54 = arith.constant 0 : i32
    %scan3A_55 = arith.constant 40 : i32
    %scan3A_56 = arith.addi %scan3A_54, %scan3A_55 : i32
    %scan3A_57 = arith.constant 1 : i32
    %scan3A_58 = scf.for %scan3A_85 = %scan3A_54 to %scan3A_56 step %scan3A_57 iter_args(%scan3A_86 = %scan3A_53) -> (i32)  : i32 {
      %get3A = arith.index_cast %scan3A_85 : i32 to index
      %get3A_87 = arith.constant 0 : index
      %get3A_88 = tpu.vector_load %arg6[%get3A, %get3A_87] {strides = array<i32>} : memref<40x128xi32, #tpu.memory_space<vmem>>, vector<1x16xi32>,
      %get3A_89 = vector.shape_cast %get3A_88 : vector<1x16xi32> to vector<16xi32>
      %add3A_90 = vector.broadcast %mul3A_17 : i32 to vector<16xi32>
      %add3A_91 = arith.addi %get3A_89, %add3A_90 : vector<16xi32>
      %swap3A = arith.index_cast %scan3A_85 : i32 to index
      %swap3A_92 = arith.constant 0 : index
      %swap3A_93 = tpu.vector_load %arg6[%swap3A, %swap3A_92] {strides = array<i32>} : memref<40x128xi32, #tpu.memory_space<vmem>>, vector<1x16xi32>,
      %swap3A_94 = vector.shape_cast %swap3A_93 : vector<1x16xi32> to vector<16xi32>
      %swap3A_95 = vector.shape_cast %add3A_91 : vector<16xi32> to vector<1x16xi32>
      tpu.vector_store %arg6[%swap3A, %swap3A_92], %swap3A_95 {strides = array<i32>} : memref<40x128xi32, #tpu.memory_space<vmem>>, vector<1x16xi32>,
      %get3A_96 = arith.index_cast %scan3A_85 : i32 to index
      %get3A_97 = arith.constant 16 : index
      %get3A_98 = tpu.vector_load %arg6[%get3A_96, %get3A_97] {strides = array<i32>} : memref<40x128xi32, #tpu.memory_space<vmem>>, vector<1x16xi32>,
      %get3A_99 = vector.shape_cast %get3A_98 : vector<1x16xi32> to vector<16xi32>
      %add3A_100 = vector.broadcast %mul3A_17 : i32 to vector<16xi32>
      %add3A_101 = arith.addi %get3A_99, %add3A_100 : vector<16xi32>
      %swap3A_102 = arith.index_cast %scan3A_85 : i32 to index
      %swap3A_103 = arith.constant 16 : index
      %swap3A_104 = tpu.vector_load %arg6[%swap3A_102, %swap3A_103] {strides = array<i32>} : memref<40x128xi32, #tpu.memory_space<vmem>>, vector<1x16xi32>,
      %swap3A_105 = vector.shape_cast %swap3A_104 : vector<1x16xi32> to vector<16xi32>
      %swap3A_106 = vector.shape_cast %add3A_101 : vector<16xi32> to vector<1x16xi32>
      tpu.vector_store %arg6[%swap3A_102, %swap3A_103], %swap3A_106 {strides = array<i32>} : memref<40x128xi32, #tpu.memory_space<vmem>>, vector<1x16xi32>,
      %get3A_107 = arith.index_cast %scan3A_85 : i32 to index
      %get3A_108 = arith.constant 32 : index
      %get3A_109 = tpu.vector_load %arg6[%get3A_107, %get3A_108] {strides = array<i32>} : memref<40x128xi32, #tpu.memory_space<vmem>>, vector<1x16xi32>,
      %get3A_110 = vector.shape_cast %get3A_109 : vector<1x16xi32> to vector<16xi32>
      %add3A_111 = vector.broadcast %mul3A_17 : i32 to vector<16xi32>
      %add3A_112 = arith.addi %get3A_110, %add3A_111 : vector<16xi32>
      %swap3A_113 = arith.index_cast %scan3A_85 : i32 to index
      %swap3A_114 = arith.constant 32 : index
      %swap3A_115 = tpu.vector_load %arg6[%swap3A_113, %swap3A_114] {strides = array<i32>} : memref<40x128xi32, #tpu.memory_space<vmem>>, vector<1x16xi32>,
      %swap3A_116 = vector.shape_cast %swap3A_115 : vector<1x16xi32> to vector<16xi32>
      %swap3A_117 = vector.shape_cast %add3A_112 : vector<16xi32> to vector<1x16xi32>
      tpu.vector_store %arg6[%swap3A_113, %swap3A_114], %swap3A_117 {strides = array<i32>} : memref<40x128xi32, #tpu.memory_space<vmem>>, vector<1x16xi32>,
      %get3A_118 = arith.index_cast %scan3A_85 : i32 to index
      %get3A_119 = arith.constant 48 : index
      %get3A_120 = tpu.vector_load %arg6[%get3A_118, %get3A_119] {strides = array<i32>} : memref<40x128xi32, #tpu.memory_space<vmem>>, vector<1x16xi32>,
      %get3A_121 = vector.shape_cast %get3A_120 : vector<1x16xi32> to vector<16xi32>
      %add3A_122 = vector.broadcast %mul3A_17 : i32 to vector<16xi32>
      %add3A_123 = arith.addi %get3A_121, %add3A_122 : vector<16xi32>
      %swap3A_124 = arith.index_cast %scan3A_85 : i32 to index
      %swap3A_125 = arith.constant 48 : index
      %swap3A_126 = tpu.vector_load %arg6[%swap3A_124, %swap3A_125] {strides = array<i32>} : memref<40x128xi32, #tpu.memory_space<vmem>>, vector<1x16xi32>,
      %swap3A_127 = vector.shape_cast %swap3A_126 : vector<1x16xi32> to vector<16xi32>
      %swap3A_128 = vector.shape_cast %add3A_123 : vector<16xi32> to vector<1x16xi32>
      tpu.vector_store %arg6[%swap3A_124, %swap3A_125], %swap3A_128 {strides = array<i32>} : memref<40x128xi32, #tpu.memory_space<vmem>>, vector<1x16xi32>,
      %get3A_129 = arith.index_cast %scan3A_85 : i32 to index
      %get3A_130 = arith.constant 64 : index
      %get3A_131 = tpu.vector_load %arg6[%get3A_129, %get3A_130] {strides = array<i32>} : memref<40x128xi32, #tpu.memory_space<vmem>>, vector<1x16xi32>,
      %get3A_132 = vector.shape_cast %get3A_131 : vector<1x16xi32> to vector<16xi32>
      %add3A_133 = vector.broadcast %mul3A_17 : i32 to vector<16xi32>
      %add3A_134 = arith.addi %get3A_132, %add3A_133 : vector<16xi32>
      %swap3A_135 = arith.index_cast %scan3A_85 : i32 to index
      %swap3A_136 = arith.constant 64 : index
      %swap3A_137 = tpu.vector_load %arg6[%swap3A_135, %swap3A_136] {strides = array<i32>} : memref<40x128xi32, #tpu.memory_space<vmem>>, vector<1x16xi32>,
      %swap3A_138 = vector.shape_cast %swap3A_137 : vector<1x16xi32> to vector<16xi32>
      %swap3A_139 = vector.shape_cast %add3A_134 : vector<16xi32> to vector<1x16xi32>
      tpu.vector_store %arg6[%swap3A_135, %swap3A_136], %swap3A_139 {strides = array<i32>} : memref<40x128xi32, #tpu.memory_space<vmem>>, vector<1x16xi32>,
      %get3A_140 = arith.index_cast %scan3A_85 : i32 to index
      %get3A_141 = arith.constant 80 : index
      %get3A_142 = tpu.vector_load %arg6[%get3A_140, %get3A_141] {strides = array<i32>} : memref<40x128xi32, #tpu.memory_space<vmem>>, vector<1x16xi32>,
      %get3A_143 = vector.shape_cast %get3A_142 : vector<1x16xi32> to vector<16xi32>
      %add3A_144 = vector.broadcast %mul3A_17 : i32 to vector<16xi32>
      %add3A_145 = arith.addi %get3A_143, %add3A_144 : vector<16xi32>
      %swap3A_146 = arith.index_cast %scan3A_85 : i32 to index
      %swap3A_147 = arith.constant 80 : index
      %swap3A_148 = tpu.vector_load %arg6[%swap3A_146, %swap3A_147] {strides = array<i32>} : memref<40x128xi32, #tpu.memory_space<vmem>>, vector<1x16xi32>,
      %swap3A_149 = vector.shape_cast %swap3A_148 : vector<1x16xi32> to vector<16xi32>
      %swap3A_150 = vector.shape_cast %add3A_145 : vector<16xi32> to vector<1x16xi32>
      tpu.vector_store %arg6[%swap3A_146, %swap3A_147], %swap3A_150 {strides = array<i32>} : memref<40x128xi32, #tpu.memory_space<vmem>>, vector<1x16xi32>,
      %get3A_151 = arith.index_cast %scan3A_85 : i32 to index
      %get3A_152 = arith.constant 96 : index
      %get3A_153 = tpu.vector_load %arg6[%get3A_151, %get3A_152] {strides = array<i32>} : memref<40x128xi32, #tpu.memory_space<vmem>>, vector<1x16xi32>,
      %get3A_154 = vector.shape_cast %get3A_153 : vector<1x16xi32> to vector<16xi32>
      %add3A_155 = vector.broadcast %mul3A_17 : i32 to vector<16xi32>
      %add3A_156 = arith.addi %get3A_154, %add3A_155 : vector<16xi32>
      %swap3A_157 = arith.index_cast %scan3A_85 : i32 to index
      %swap3A_158 = arith.constant 96 : index
      %swap3A_159 = tpu.vector_load %arg6[%swap3A_157, %swap3A_158] {strides = array<i32>} : memref<40x128xi32, #tpu.memory_space<vmem>>, vector<1x16xi32>,
      %swap3A_160 = vector.shape_cast %swap3A_159 : vector<1x16xi32> to vector<16xi32>
      %swap3A_161 = vector.shape_cast %add3A_156 : vector<16xi32> to vector<1x16xi32>
      tpu.vector_store %arg6[%swap3A_157, %swap3A_158], %swap3A_161 {strides = array<i32>} : memref<40x128xi32, #tpu.memory_space<vmem>>, vector<1x16xi32>,
      %get3A_162 = arith.index_cast %scan3A_85 : i32 to index
      %get3A_163 = arith.constant 112 : index
      %get3A_164 = tpu.vector_load %arg6[%get3A_162, %get3A_163] {strides = array<i32>} : memref<40x128xi32, #tpu.memory_space<vmem>>, vector<1x16xi32>,
      %get3A_165 = vector.shape_cast %get3A_164 : vector<1x16xi32> to vector<16xi32>
      %add3A_166 = vector.broadcast %mul3A_17 : i32 to vector<16xi32>
      %add3A_167 = arith.addi %get3A_165, %add3A_166 : vector<16xi32>
      %swap3A_168 = arith.index_cast %scan3A_85 : i32 to index
      %swap3A_169 = arith.constant 112 : index
      %swap3A_170 = tpu.vector_load %arg6[%swap3A_168, %swap3A_169] {strides = array<i32>} : memref<40x128xi32, #tpu.memory_space<vmem>>, vector<1x16xi32>,
      %swap3A_171 = vector.shape_cast %swap3A_170 : vector<1x16xi32> to vector<16xi32>
      %swap3A_172 = vector.shape_cast %add3A_167 : vector<16xi32> to vector<1x16xi32>
      tpu.vector_store %arg6[%swap3A_168, %swap3A_169], %swap3A_172 {strides = array<i32>} : memref<40x128xi32, #tpu.memory_space<vmem>>, vector<1x16xi32>,
      %scan3A_173 = arith.constant 0 : i32
      scf.yield %scan3A_173 : i32
    }
    %scan3A_59 = arith.constant 40 : i32
    %gt3A_60 = arith.constant 0 : i32
    %gt3A_61 = arith.cmpi sgt, %min3A_52, %gt3A_60 : i32
    %convert_element_type3A_62 = arith.extui %gt3A_61 : i1 to i32
    %cond3A_63 = arith.constant 0 : i32
    %cond3A_64 = arith.cmpi ne, %convert_element_type3A_62, %cond3A_63 : i32
    scf.if %cond3A_64 {
      %dma_start3A = arith.constant 0 : i32
      %dma_start3A_85 = arith.constant 0 : i32
      %dma_start3A_86 = tpu.memref_slice %arg6[%dma_start3A, %dma_start3A_85] : memref<40x128xi32, #tpu.memory_space<vmem>> -> memref<1x128xi32, #tpu.memory_space<vmem>>
      %dma_start3A_87 = tpu.memref_squeeze %dma_start3A_86 : memref<1x128xi32, #tpu.memory_space<vmem>> -> memref<128xi32, #tpu.memory_space<vmem>>
      %dma_start3A_88 = arith.constant 0 : i32
      %dma_start3A_89 = arith.constant 0 : i32
      %dma_start3A_90 = tpu.memref_slice %arg4[%dma_start3A_88, %dma_start3A_89] : memref<20000x128xf32, #tpu.memory_space<hbm>> -> memref<20000x128xf32, #tpu.memory_space<hbm>>
      tpu.enqueue_indirect_dma source(%dma_start3A_90 : memref<20000x128xf32, #tpu.memory_space<hbm>>) target(%arg8 : memref<128x128xf32, #tpu.memory_space<vmem>>) offsets(%dma_start3A_87 : memref<128xi32, #tpu.memory_space<vmem>>) semaphore(%arg11 : memref<!tpu.dma_semaphore, #tpu.memory_space<semaphore_mem>>)
    } else {
    }
    %gt3A_65 = arith.constant 1 : i32
    %gt3A_66 = arith.cmpi sgt, %min3A_52, %gt3A_65 : i32
    %convert_element_type3A_67 = arith.extui %gt3A_66 : i1 to i32
    %cond3A_68 = arith.constant 0 : i32
    %cond3A_69 = arith.cmpi ne, %convert_element_type3A_67, %cond3A_68 : i32
    scf.if %cond3A_69 {
      %dma_start3A = arith.constant 1 : i32
      %dma_start3A_85 = arith.constant 0 : i32
      %dma_start3A_86 = tpu.memref_slice %arg6[%dma_start3A, %dma_start3A_85] : memref<40x128xi32, #tpu.memory_space<vmem>> -> memref<1x128xi32, #tpu.memory_space<vmem>>
      %dma_start3A_87 = tpu.memref_squeeze %dma_start3A_86 : memref<1x128xi32, #tpu.memory_space<vmem>> -> memref<128xi32, #tpu.memory_space<vmem>>
      %dma_start3A_88 = arith.constant 0 : i32
      %dma_start3A_89 = arith.constant 0 : i32
      %dma_start3A_90 = tpu.memref_slice %arg4[%dma_start3A_88, %dma_start3A_89] : memref<20000x128xf32, #tpu.memory_space<hbm>> -> memref<20000x128xf32, #tpu.memory_space<hbm>>
      tpu.enqueue_indirect_dma source(%dma_start3A_90 : memref<20000x128xf32, #tpu.memory_space<hbm>>) target(%arg9 : memref<128x128xf32, #tpu.memory_space<vmem>>) offsets(%dma_start3A_87 : memref<128xi32, #tpu.memory_space<vmem>>) semaphore(%arg12 : memref<!tpu.dma_semaphore, #tpu.memory_space<semaphore_mem>>)
    } else {
    }
    %scan3A_70 = arith.constant 0 : i32
    %scan3A_71 = arith.constant 0 : i32
    %scan3A_72 = arith.constant 20 : i32
    %scan3A_73 = arith.addi %scan3A_71, %scan3A_72 : i32
    %scan3A_74 = arith.constant 1 : i32
    %scan3A_75 = scf.for %scan3A_85 = %scan3A_71 to %scan3A_73 step %scan3A_74 iter_args(%scan3A_86 = %scan3A_70) -> (i32)  : i32 {
      %mul3A_87 = arith.constant 2 : i32
      %mul3A_88 = arith.muli %scan3A_85, %mul3A_87 : i32
      %add3A_89 = arith.constant 0 : i32
      %add3A_90 = arith.addi %mul3A_88, %add3A_89 : i32
      %lt3A = arith.cmpi slt, %add3A_90, %min3A_52 : i32
      %convert_element_type3A_91 = arith.extui %lt3A : i1 to i32
      %cond3A_92 = arith.constant 0 : i32
      %cond3A_93 = arith.cmpi ne, %convert_element_type3A_91, %cond3A_92 : i32
      scf.if %cond3A_93 {
        %dma_wait3A = arith.constant 0 : i32
        %dma_wait3A_129 = arith.constant 0 : i32
        %dma_wait3A_130 = tpu.memref_slice %arg6[%dma_wait3A, %dma_wait3A_129] : memref<40x128xi32, #tpu.memory_space<vmem>> -> memref<1x128xi32, #tpu.memory_space<vmem>>
        %dma_wait3A_131 = tpu.memref_squeeze %dma_wait3A_130 : memref<1x128xi32, #tpu.memory_space<vmem>> -> memref<128xi32, #tpu.memory_space<vmem>>
        %dma_wait3A_132 = arith.constant 0 : i32
        %dma_wait3A_133 = arith.constant 0 : i32
        %dma_wait3A_134 = tpu.memref_slice %arg4[%dma_wait3A_132, %dma_wait3A_133] : memref<20000x128xf32, #tpu.memory_space<hbm>> -> memref<20000x128xf32, #tpu.memory_space<hbm>>
        tpu.wait_indirect_dma semaphore(%arg11 : memref<!tpu.dma_semaphore, #tpu.memory_space<semaphore_mem>>) src(%dma_wait3A_134 : memref<20000x128xf32, #tpu.memory_space<hbm>>) dst(%arg8 : memref<128x128xf32, #tpu.memory_space<vmem>>)
        %add3A_135 = arith.constant 0 : i32
        %add3A_136 = arith.addi %mul3A_88, %add3A_135 : i32
        %dma_start3A = arith.constant 0 : i32
        %dma_start3A_137 = tpu.memref_slice %arg7[%add3A_136, %dma_start3A] : memref<40x128xi32, #tpu.memory_space<vmem>> -> memref<1x128xi32, #tpu.memory_space<vmem>>
        %dma_start3A_138 = tpu.memref_squeeze %dma_start3A_137 : memref<1x128xi32, #tpu.memory_space<vmem>> -> memref<128xi32, #tpu.memory_space<vmem>>
        %dma_start3A_139 = arith.constant 0 : i32
        %dma_start3A_140 = arith.constant 0 : i32
        %dma_start3A_141 = tpu.memref_slice %arg10[%dma_start3A_139, %dma_start3A_140] : memref<10240x128xf32, #tpu.memory_space<vmem_shared>> -> memref<10240x128xf32, #tpu.memory_space<vmem_shared>>
        tpu.enqueue_indirect_dma source(%arg8 : memref<128x128xf32, #tpu.memory_space<vmem>>) target(%dma_start3A_141 : memref<10240x128xf32, #tpu.memory_space<vmem_shared>>) offsets(%dma_start3A_138 : memref<128xi32, #tpu.memory_space<vmem>>) semaphore(%arg13 : memref<!tpu.dma_semaphore, #tpu.memory_space<semaphore_mem>>) {add = true}
      } else {
      }
      %add3A_94 = arith.constant 1 : i32
      %add3A_95 = arith.addi %mul3A_88, %add3A_94 : i32
      %lt3A_96 = arith.cmpi slt, %add3A_95, %min3A_52 : i32
      %convert_element_type3A_97 = arith.extui %lt3A_96 : i1 to i32
      %cond3A_98 = arith.constant 0 : i32
      %cond3A_99 = arith.cmpi ne, %convert_element_type3A_97, %cond3A_98 : i32
      scf.if %cond3A_99 {
        %dma_wait3A = arith.constant 0 : i32
        %dma_wait3A_129 = arith.constant 0 : i32
        %dma_wait3A_130 = tpu.memref_slice %arg6[%dma_wait3A, %dma_wait3A_129] : memref<40x128xi32, #tpu.memory_space<vmem>> -> memref<1x128xi32, #tpu.memory_space<vmem>>
        %dma_wait3A_131 = tpu.memref_squeeze %dma_wait3A_130 : memref<1x128xi32, #tpu.memory_space<vmem>> -> memref<128xi32, #tpu.memory_space<vmem>>
        %dma_wait3A_132 = arith.constant 0 : i32
        %dma_wait3A_133 = arith.constant 0 : i32
        %dma_wait3A_134 = tpu.memref_slice %arg4[%dma_wait3A_132, %dma_wait3A_133] : memref<20000x128xf32, #tpu.memory_space<hbm>> -> memref<20000x128xf32, #tpu.memory_space<hbm>>
        tpu.wait_indirect_dma semaphore(%arg12 : memref<!tpu.dma_semaphore, #tpu.memory_space<semaphore_mem>>) src(%dma_wait3A_134 : memref<20000x128xf32, #tpu.memory_space<hbm>>) dst(%arg9 : memref<128x128xf32, #tpu.memory_space<vmem>>)
        %add3A_135 = arith.constant 1 : i32
        %add3A_136 = arith.addi %mul3A_88, %add3A_135 : i32
        %dma_start3A = arith.constant 0 : i32
        %dma_start3A_137 = tpu.memref_slice %arg7[%add3A_136, %dma_start3A] : memref<40x128xi32, #tpu.memory_space<vmem>> -> memref<1x128xi32, #tpu.memory_space<vmem>>
        %dma_start3A_138 = tpu.memref_squeeze %dma_start3A_137 : memref<1x128xi32, #tpu.memory_space<vmem>> -> memref<128xi32, #tpu.memory_space<vmem>>
        %dma_start3A_139 = arith.constant 0 : i32
        %dma_start3A_140 = arith.constant 0 : i32
        %dma_start3A_141 = tpu.memref_slice %arg10[%dma_start3A_139, %dma_start3A_140] : memref<10240x128xf32, #tpu.memory_space<vmem_shared>> -> memref<10240x128xf32, #tpu.memory_space<vmem_shared>>
        tpu.enqueue_indirect_dma source(%arg9 : memref<128x128xf32, #tpu.memory_space<vmem>>) target(%dma_start3A_141 : memref<10240x128xf32, #tpu.memory_space<vmem_shared>>) offsets(%dma_start3A_138 : memref<128xi32, #tpu.memory_space<vmem>>) semaphore(%arg14 : memref<!tpu.dma_semaphore, #tpu.memory_space<semaphore_mem>>) {add = true}
      } else {
      }
      %add3A_100 = arith.constant 0 : i32
      %add3A_101 = arith.addi %mul3A_88, %add3A_100 : i32
      %lt3A_102 = arith.cmpi slt, %add3A_101, %min3A_52 : i32
      %convert_element_type3A_103 = arith.extui %lt3A_102 : i1 to i32
      %cond3A_104 = arith.constant 0 : i32
      %cond3A_105 = arith.cmpi ne, %convert_element_type3A_103, %cond3A_104 : i32
      scf.if %cond3A_105 {
        %dma_wait3A = arith.constant 0 : i32
        %dma_wait3A_129 = arith.constant 0 : i32
        %dma_wait3A_130 = tpu.memref_slice %arg7[%dma_wait3A, %dma_wait3A_129] : memref<40x128xi32, #tpu.memory_space<vmem>> -> memref<1x128xi32, #tpu.memory_space<vmem>>
        %dma_wait3A_131 = tpu.memref_squeeze %dma_wait3A_130 : memref<1x128xi32, #tpu.memory_space<vmem>> -> memref<128xi32, #tpu.memory_space<vmem>>
        %dma_wait3A_132 = arith.constant 0 : i32
        %dma_wait3A_133 = arith.constant 0 : i32
        %dma_wait3A_134 = tpu.memref_slice %arg10[%dma_wait3A_132, %dma_wait3A_133] : memref<10240x128xf32, #tpu.memory_space<vmem_shared>> -> memref<10240x128xf32, #tpu.memory_space<vmem_shared>>
        tpu.wait_indirect_dma semaphore(%arg13 : memref<!tpu.dma_semaphore, #tpu.memory_space<semaphore_mem>>) src(%arg8 : memref<128x128xf32, #tpu.memory_space<vmem>>) dst(%dma_wait3A_134 : memref<10240x128xf32, #tpu.memory_space<vmem_shared>>)
      } else {
      }
      %add3A_106 = arith.constant 0 : i32
      %add3A_107 = arith.addi %mul3A_88, %add3A_106 : i32
      %add3A_108 = arith.constant 2 : i32
      %add3A_109 = arith.addi %add3A_107, %add3A_108 : i32
      %lt3A_110 = arith.cmpi slt, %add3A_109, %min3A_52 : i32
      %convert_element_type3A_111 = arith.extui %lt3A_110 : i1 to i32
      %cond3A_112 = arith.constant 0 : i32
      %cond3A_113 = arith.cmpi ne, %convert_element_type3A_111, %cond3A_112 : i32
      scf.if %cond3A_113 {
        %add3A_129 = arith.constant 0 : i32
        %add3A_130 = arith.addi %mul3A_88, %add3A_129 : i32
        %add3A_131 = arith.constant 2 : i32
        %add3A_132 = arith.addi %add3A_130, %add3A_131 : i32
        %dma_start3A = arith.constant 0 : i32
        %dma_start3A_133 = tpu.memref_slice %arg6[%add3A_132, %dma_start3A] : memref<40x128xi32, #tpu.memory_space<vmem>> -> memref<1x128xi32, #tpu.memory_space<vmem>>
        %dma_start3A_134 = tpu.memref_squeeze %dma_start3A_133 : memref<1x128xi32, #tpu.memory_space<vmem>> -> memref<128xi32, #tpu.memory_space<vmem>>
        %dma_start3A_135 = arith.constant 0 : i32
        %dma_start3A_136 = arith.constant 0 : i32
        %dma_start3A_137 = tpu.memref_slice %arg4[%dma_start3A_135, %dma_start3A_136] : memref<20000x128xf32, #tpu.memory_space<hbm>> -> memref<20000x128xf32, #tpu.memory_space<hbm>>
        tpu.enqueue_indirect_dma source(%dma_start3A_137 : memref<20000x128xf32, #tpu.memory_space<hbm>>) target(%arg8 : memref<128x128xf32, #tpu.memory_space<vmem>>) offsets(%dma_start3A_134 : memref<128xi32, #tpu.memory_space<vmem>>) semaphore(%arg11 : memref<!tpu.dma_semaphore, #tpu.memory_space<semaphore_mem>>)
      } else {
      }
      %add3A_114 = arith.constant 1 : i32
      %add3A_115 = arith.addi %mul3A_88, %add3A_114 : i32
      %lt3A_116 = arith.cmpi slt, %add3A_115, %min3A_52 : i32
      %convert_element_type3A_117 = arith.extui %lt3A_116 : i1 to i32
      %cond3A_118 = arith.constant 0 : i32
      %cond3A_119 = arith.cmpi ne, %convert_element_type3A_117, %cond3A_118 : i32
      scf.if %cond3A_119 {
        %dma_wait3A = arith.constant 0 : i32
        %dma_wait3A_129 = arith.constant 0 : i32
        %dma_wait3A_130 = tpu.memref_slice %arg7[%dma_wait3A, %dma_wait3A_129] : memref<40x128xi32, #tpu.memory_space<vmem>> -> memref<1x128xi32, #tpu.memory_space<vmem>>
        %dma_wait3A_131 = tpu.memref_squeeze %dma_wait3A_130 : memref<1x128xi32, #tpu.memory_space<vmem>> -> memref<128xi32, #tpu.memory_space<vmem>>
        %dma_wait3A_132 = arith.constant 0 : i32
        %dma_wait3A_133 = arith.constant 0 : i32
        %dma_wait3A_134 = tpu.memref_slice %arg10[%dma_wait3A_132, %dma_wait3A_133] : memref<10240x128xf32, #tpu.memory_space<vmem_shared>> -> memref<10240x128xf32, #tpu.memory_space<vmem_shared>>
        tpu.wait_indirect_dma semaphore(%arg14 : memref<!tpu.dma_semaphore, #tpu.memory_space<semaphore_mem>>) src(%arg9 : memref<128x128xf32, #tpu.memory_space<vmem>>) dst(%dma_wait3A_134 : memref<10240x128xf32, #tpu.memory_space<vmem_shared>>)
      } else {
      }
      %add3A_120 = arith.constant 1 : i32
      %add3A_121 = arith.addi %mul3A_88, %add3A_120 : i32
      %add3A_122 = arith.constant 2 : i32
      %add3A_123 = arith.addi %add3A_121, %add3A_122 : i32
      %lt3A_124 = arith.cmpi slt, %add3A_123, %min3A_52 : i32
      %convert_element_type3A_125 = arith.extui %lt3A_124 : i1 to i32
      %cond3A_126 = arith.constant 0 : i32
      %cond3A_127 = arith.cmpi ne, %convert_element_type3A_125, %cond3A_126 : i32
      scf.if %cond3A_127 {
        %add3A_129 = arith.constant 1 : i32
        %add3A_130 = arith.addi %mul3A_88, %add3A_129 : i32
        %add3A_131 = arith.constant 2 : i32
        %add3A_132 = arith.addi %add3A_130, %add3A_131 : i32
        %dma_start3A = arith.constant 0 : i32
        %dma_start3A_133 = tpu.memref_slice %arg6[%add3A_132, %dma_start3A] : memref<40x128xi32, #tpu.memory_space<vmem>> -> memref<1x128xi32, #tpu.memory_space<vmem>>
        %dma_start3A_134 = tpu.memref_squeeze %dma_start3A_133 : memref<1x128xi32, #tpu.memory_space<vmem>> -> memref<128xi32, #tpu.memory_space<vmem>>
        %dma_start3A_135 = arith.constant 0 : i32
        %dma_start3A_136 = arith.constant 0 : i32
        %dma_start3A_137 = tpu.memref_slice %arg4[%dma_start3A_135, %dma_start3A_136] : memref<20000x128xf32, #tpu.memory_space<hbm>> -> memref<20000x128xf32, #tpu.memory_space<hbm>>
        tpu.enqueue_indirect_dma source(%dma_start3A_137 : memref<20000x128xf32, #tpu.memory_space<hbm>>) target(%arg9 : memref<128x128xf32, #tpu.memory_space<vmem>>) offsets(%dma_start3A_134 : memref<128xi32, #tpu.memory_space<vmem>>) semaphore(%arg12 : memref<!tpu.dma_semaphore, #tpu.memory_space<semaphore_mem>>)
      } else {
      }
      %scan3A_128 = arith.constant 0 : i32
      scf.yield %scan3A_128 : i32
    }
    %scan3A_76 = arith.constant 20 : i32
    %barrier3A_77 = arith.constant 0 : index
    tpu.barrier barrier_id(%barrier3A_77)
    %scan3A_78 = arith.constant 0 : i32
    %scan3A_79 = arith.constant 0 : i32
    %scan3A_80 = arith.constant 5 : i32
    %scan3A_81 = arith.addi %scan3A_79, %scan3A_80 : i32
    %scan3A_82 = arith.constant 1 : i32
    %scan3A_83 = scf.for %scan3A_85 = %scan3A_79 to %scan3A_81 step %scan3A_82 iter_args(%scan3A_86 = %scan3A_78) -> (i32)  : i32 {
      %mul3A_87 = arith.constant 640 : i32
      %mul3A_88 = arith.muli %arg1, %mul3A_87 : i32
      %mul3A_89 = arith.constant 128 : i32
      %mul3A_90 = arith.muli %scan3A_85, %mul3A_89 : i32
      %add3A_91 = arith.addi %mul3A_88, %mul3A_90 : i32
      "tpu.region"() ({
        %run_scoped3A = tpu.sem_alloc : memref<!tpu.dma_semaphore, #tpu.memory_space<semaphore_mem>>
        %dma_start3A = arith.constant 0 : i32
        %dma_start3A_96 = tpu.memref_slice %arg10[%add3A_91, %dma_start3A] : memref<10240x128xf32, #tpu.memory_space<vmem_shared>> -> memref<128x128xf32, #tpu.memory_space<vmem_shared>>
        %dma_start3A_97 = arith.constant 0 : i32
        %dma_start3A_98 = tpu.memref_slice %arg10[%add3A_91, %dma_start3A_97] : memref<10240x128xf32, #tpu.memory_space<vmem_shared>> -> memref<128x128xf32, #tpu.memory_space<vmem_shared>>
        tpu.enqueue_dma source(%dma_start3A_98 : memref<128x128xf32, #tpu.memory_space<vmem_shared>>) target(%arg8 : memref<128x128xf32, #tpu.memory_space<vmem>>) target_semaphore(%run_scoped3A : memref<!tpu.dma_semaphore, #tpu.memory_space<semaphore_mem>>)
        %dma_wait3A = arith.constant 0 : i32
        %dma_wait3A_99 = tpu.memref_slice %arg10[%add3A_91, %dma_wait3A] : memref<10240x128xf32, #tpu.memory_space<vmem_shared>> -> memref<128x128xf32, #tpu.memory_space<vmem_shared>>
        %dma_wait3A_100 = arith.constant 0 : i32
        %dma_wait3A_101 = tpu.memref_slice %arg10[%add3A_91, %dma_wait3A_100] : memref<10240x128xf32, #tpu.memory_space<vmem_shared>> -> memref<128x128xf32, #tpu.memory_space<vmem_shared>>
        tpu.wait_dma2 semaphore(%run_scoped3A : memref<!tpu.dma_semaphore, #tpu.memory_space<semaphore_mem>>) src(%dma_wait3A_101 : memref<128x128xf32, #tpu.memory_space<vmem_shared>>) dst(%arg8 : memref<128x128xf32, #tpu.memory_space<vmem>>)
        tpu.yield
      }) : () -> ()
      %mul3A_92 = arith.constant 10240 : i32
      %mul3A_93 = arith.muli %arg0, %mul3A_92 : i32
      %add3A_94 = arith.addi %mul3A_93, %add3A_91 : i32
      "tpu.region"() ({
        %run_scoped3A = tpu.sem_alloc : memref<!tpu.dma_semaphore, #tpu.memory_space<semaphore_mem>>
        %dma_start3A = arith.constant 0 : i32
        %dma_start3A_96 = tpu.memref_slice %arg5[%add3A_94, %dma_start3A] : memref<20480x128xf32, #tpu.memory_space<hbm>> -> memref<128x128xf32, #tpu.memory_space<hbm>>
        %dma_start3A_97 = arith.constant 0 : i32
        %dma_start3A_98 = tpu.memref_slice %arg5[%add3A_94, %dma_start3A_97] : memref<20480x128xf32, #tpu.memory_space<hbm>> -> memref<128x128xf32, #tpu.memory_space<hbm>>
        tpu.enqueue_dma source(%arg8 : memref<128x128xf32, #tpu.memory_space<vmem>>) target(%dma_start3A_98 : memref<128x128xf32, #tpu.memory_space<hbm>>) target_semaphore(%run_scoped3A : memref<!tpu.dma_semaphore, #tpu.memory_space<semaphore_mem>>)
        %dma_wait3A = arith.constant 0 : i32
        %dma_wait3A_99 = tpu.memref_slice %arg5[%add3A_94, %dma_wait3A] : memref<20480x128xf32, #tpu.memory_space<hbm>> -> memref<128x128xf32, #tpu.memory_space<hbm>>
        %dma_wait3A_100 = arith.constant 0 : i32
        %dma_wait3A_101 = tpu.memref_slice %arg5[%add3A_94, %dma_wait3A_100] : memref<20480x128xf32, #tpu.memory_space<hbm>> -> memref<128x128xf32, #tpu.memory_space<hbm>>
        tpu.wait_dma2 semaphore(%run_scoped3A : memref<!tpu.dma_semaphore, #tpu.memory_space<semaphore_mem>>) src(%arg8 : memref<128x128xf32, #tpu.memory_space<vmem>>) dst(%dma_wait3A_101 : memref<128x128xf32, #tpu.memory_space<hbm>>)
        tpu.yield
      }) : () -> ()
      %scan3A_95 = arith.constant 0 : i32
      scf.yield %scan3A_95 : i32
    }
    %scan3A_84 = arith.constant 5 : i32
    return
  }
}

module attributes {stable_mosaic.version = 14 : i64} {
  func.func @_ab_tc(%arg0: i32, %arg1: memref<5000x256xf32, #tpu.memory_space<vmem>>, %arg2: memref<256x256xf32, #tpu.memory_space<vmem>>, %arg3: memref<5000x1xf32, #tpu.memory_space<vmem>>, %arg4: memref<5000x1xf32, #tpu.memory_space<vmem>>, %arg5: memref<2x5000x128xf32, #tpu.memory_space<vmem>>, %arg6: memref<5000x1xf32, #tpu.memory_space<vmem>>) attributes {dimension_semantics = [#tpu.dimension_semantics<arbitrary>], iteration_bounds = array<i64: 2>, scalar_prefetch = 0 : i64, scratch_operands = 0 : i64, tpu.core_type = #tpu.core_type<tc>, window_params = [{transform_indices = @transform_0, window_bounds = array<i64: 5000, 256>}, {pipeline_mode = #tpu.pipeline_mode<synchronous>, transform_indices = @transform_1, window_bounds = array<i64: 256, 256>}, {transform_indices = @transform_2, window_bounds = array<i64: 5000, 1>}, {transform_indices = @transform_3, window_bounds = array<i64: 5000, 1>}, {transform_indices = @transform_4, window_bounds = array<i64: 2, 5000, 128>}, {transform_indices = @transform_5, window_bounds = array<i64: 5000, 1>}]} {
    %get3A = arith.constant 0 : index
    %get3A_0 = arith.constant 0 : index
    %get3A_1 = vector.load %arg1[%get3A, %get3A_0] : memref<5000x256xf32, #tpu.memory_space<vmem>>, vector<5000x256xf32>
    %get3A_2 = arith.constant 0 : index
    %get3A_3 = arith.constant 0 : index
    %get3A_4 = vector.load %arg2[%get3A_2, %get3A_3] : memref<256x256xf32, #tpu.memory_space<vmem>>, vector<256x256xf32>
    %dot_general3A = arith.constant dense<0.000000e+00> : vector<5000x256xf32>
    %dot_general3A_5 = tpu.matmul %get3A_1, %get3A_4, %dot_general3A {dimension_numbers = #tpu.dot_dimension_numbers<[1], [0], [0], [1], [0, 0, 1, 1], [], []>, transpose_lhs_hint = false} : vector<5000x256xf32>, vector<256x256xf32>, vector<5000x256xf32> -> vector<5000x256xf32>
    %get3A_6 = arith.constant 0 : index
    %get3A_7 = arith.constant 0 : index
    %get3A_8 = vector.load %arg3[%get3A_6, %get3A_7] : memref<5000x1xf32, #tpu.memory_space<vmem>>, vector<5000x1xf32>
    %get3A_9 = arith.constant 0 : index
    %get3A_10 = arith.constant 0 : index
    %get3A_11 = vector.load %arg4[%get3A_9, %get3A_10] : memref<5000x1xf32, #tpu.memory_space<vmem>>, vector<5000x1xf32>
    %add3A = arith.addf %get3A_8, %get3A_11 : vector<5000x1xf32>
    %add3A_12 = arith.constant 1.000000e+00 : f32
    %add3A_13 = vector.broadcast %add3A_12 : f32 to vector<5000x1xf32>
    %add3A_14 = arith.addf %add3A, %add3A_13 : vector<5000x1xf32>
    %rsqrt3A = math.rsqrt %add3A_14 : vector<5000x1xf32>
    %mul3A = vector.broadcast %rsqrt3A : vector<5000x1xf32> to vector<5000x256xf32>
    %mul3A_15 = arith.mulf %dot_general3A_5, %mul3A : vector<5000x256xf32>
    %slice3A = vector.extract_strided_slice %mul3A_15 {offsets = [0, 0], sizes = [5000, 128], strides = [1, 1]} : vector<5000x256xf32> to vector<5000x128xf32>
    %swap3A = arith.constant 0 : index
    %swap3A_16 = arith.constant 0 : index
    %swap3A_17 = arith.constant 0 : index
    %swap3A_18 = vector.load %arg5[%swap3A, %swap3A_16, %swap3A_17] : memref<2x5000x128xf32, #tpu.memory_space<vmem>>, vector<1x5000x128xf32>
    %swap3A_19 = vector.shape_cast %swap3A_18 : vector<1x5000x128xf32> to vector<5000x128xf32>
    %swap3A_20 = vector.shape_cast %slice3A : vector<5000x128xf32> to vector<1x5000x128xf32>
    tpu.vector_store %arg5[%swap3A, %swap3A_16, %swap3A_17], %swap3A_20 {strides = array<i32>} : memref<2x5000x128xf32, #tpu.memory_space<vmem>>, vector<1x5000x128xf32>,
    %slice3A_21 = vector.extract_strided_slice %mul3A_15 {offsets = [0, 128], sizes = [5000, 128], strides = [1, 1]} : vector<5000x256xf32> to vector<5000x128xf32>
    %swap3A_22 = arith.constant 1 : index
    %swap3A_23 = arith.constant 0 : index
    %swap3A_24 = arith.constant 0 : index
    %swap3A_25 = vector.load %arg5[%swap3A_22, %swap3A_23, %swap3A_24] : memref<2x5000x128xf32, #tpu.memory_space<vmem>>, vector<1x5000x128xf32>
    %swap3A_26 = vector.shape_cast %swap3A_25 : vector<1x5000x128xf32> to vector<5000x128xf32>
    %swap3A_27 = vector.shape_cast %slice3A_21 : vector<5000x128xf32> to vector<1x5000x128xf32>
    tpu.vector_store %arg5[%swap3A_22, %swap3A_23, %swap3A_24], %swap3A_27 {strides = array<i32>} : memref<2x5000x128xf32, #tpu.memory_space<vmem>>, vector<1x5000x128xf32>,
    %swap3A_28 = arith.constant 0 : index
    %swap3A_29 = arith.constant 0 : index
    %swap3A_30 = vector.load %arg6[%swap3A_28, %swap3A_29] : memref<5000x1xf32, #tpu.memory_space<vmem>>, vector<5000x1xf32>
    tpu.vector_store %arg6[%swap3A_28, %swap3A_29], %rsqrt3A {strides = array<i32>} : memref<5000x1xf32, #tpu.memory_space<vmem>>, vector<5000x1xf32>,
    return
  }
  func.func @transform_0(%arg0: i32) -> (i32, i32) {
    %c0_i32 = arith.constant 0 : i32
    %c0_i32_0 = arith.constant 0 : i32
    return %arg0, %c0_i32 : i32, i32
  }
  func.func @transform_1(%arg0: i32) -> (i32, i32) {
    %c0_i32 = arith.constant 0 : i32
    %c0_i32_0 = arith.constant 0 : i32
    %c0_i32_1 = arith.constant 0 : i32
    return %c0_i32, %c0_i32_0 : i32, i32
  }
  func.func @transform_2(%arg0: i32) -> (i32, i32) {
    %c0_i32 = arith.constant 0 : i32
    %c0_i32_0 = arith.constant 0 : i32
    return %arg0, %c0_i32 : i32, i32
  }
  func.func @transform_3(%arg0: i32) -> (i32, i32) {
    %c0_i32 = arith.constant 0 : i32
    %c0_i32_0 = arith.constant 0 : i32
    return %arg0, %c0_i32 : i32, i32
  }
  func.func @transform_4(%arg0: i32) -> (i32, i32, i32) {
    %c0_i32 = arith.constant 0 : i32
    %c0_i32_0 = arith.constant 0 : i32
    %c0_i32_1 = arith.constant 0 : i32
    return %c0_i32, %arg0, %c0_i32_0 : i32, i32, i32
  }
  func.func @transform_5(%arg0: i32) -> (i32, i32) {
    %c0_i32 = arith.constant 0 : i32
    %c0_i32_0 = arith.constant 0 : i32
    return %arg0, %c0_i32 : i32, i32
  }
}

module attributes {stable_mosaic.version = 14 : i64} {
  func.func @_fin_tc(%arg0: i32, %arg1: memref<2x5000x128xf32, #tpu.memory_space<vmem>>, %arg2: memref<2x5000x128xf32, #tpu.memory_space<vmem>>, %arg3: memref<5000x1xf32, #tpu.memory_space<vmem>>, %arg4: memref<1x256xf32, #tpu.memory_space<vmem>>, %arg5: memref<5000x256xf32, #tpu.memory_space<vmem>>) attributes {dimension_semantics = [#tpu.dimension_semantics<arbitrary>], iteration_bounds = array<i64: 2>, scalar_prefetch = 0 : i64, scratch_operands = 0 : i64, tpu.core_type = #tpu.core_type<tc>, window_params = [{transform_indices = @transform_0, window_bounds = array<i64: 2, 5000, 128>}, {transform_indices = @transform_1, window_bounds = array<i64: 2, 5000, 128>}, {transform_indices = @transform_2, window_bounds = array<i64: 5000, 1>}, {pipeline_mode = #tpu.pipeline_mode<synchronous>, transform_indices = @transform_3, window_bounds = array<i64: 1, 256>}, {transform_indices = @transform_4, window_bounds = array<i64: 5000, 256>}]} {
    %get3A = arith.constant 0 : index
    %get3A_0 = arith.constant 0 : index
    %get3A_1 = vector.load %arg3[%get3A, %get3A_0] : memref<5000x1xf32, #tpu.memory_space<vmem>>, vector<5000x1xf32>
    %get3A_2 = arith.constant 0 : index
    %get3A_3 = arith.constant 0 : index
    %get3A_4 = arith.constant 0 : index
    %get3A_5 = vector.load %arg1[%get3A_2, %get3A_3, %get3A_4] : memref<2x5000x128xf32, #tpu.memory_space<vmem>>, vector<1x5000x128xf32>
    %get3A_6 = vector.shape_cast %get3A_5 : vector<1x5000x128xf32> to vector<5000x128xf32>
    %get3A_7 = arith.constant 0 : index
    %get3A_8 = arith.constant 0 : index
    %get3A_9 = arith.constant 0 : index
    %get3A_10 = vector.load %arg2[%get3A_7, %get3A_8, %get3A_9] : memref<2x5000x128xf32, #tpu.memory_space<vmem>>, vector<1x5000x128xf32>
    %get3A_11 = vector.shape_cast %get3A_10 : vector<1x5000x128xf32> to vector<5000x128xf32>
    %add3A = arith.addf %get3A_6, %get3A_11 : vector<5000x128xf32>
    %mul3A = vector.broadcast %get3A_1 : vector<5000x1xf32> to vector<5000x128xf32>
    %mul3A_12 = arith.mulf %add3A, %mul3A : vector<5000x128xf32>
    %get3A_13 = arith.constant 1 : index
    %get3A_14 = arith.constant 0 : index
    %get3A_15 = arith.constant 0 : index
    %get3A_16 = vector.load %arg1[%get3A_13, %get3A_14, %get3A_15] : memref<2x5000x128xf32, #tpu.memory_space<vmem>>, vector<1x5000x128xf32>
    %get3A_17 = vector.shape_cast %get3A_16 : vector<1x5000x128xf32> to vector<5000x128xf32>
    %get3A_18 = arith.constant 1 : index
    %get3A_19 = arith.constant 0 : index
    %get3A_20 = arith.constant 0 : index
    %get3A_21 = vector.load %arg2[%get3A_18, %get3A_19, %get3A_20] : memref<2x5000x128xf32, #tpu.memory_space<vmem>>, vector<1x5000x128xf32>
    %get3A_22 = vector.shape_cast %get3A_21 : vector<1x5000x128xf32> to vector<5000x128xf32>
    %add3A_23 = arith.addf %get3A_17, %get3A_22 : vector<5000x128xf32>
    %mul3A_24 = vector.broadcast %get3A_1 : vector<5000x1xf32> to vector<5000x128xf32>
    %mul3A_25 = arith.mulf %add3A_23, %mul3A_24 : vector<5000x128xf32>
    %concatenate3A = tpu.concatenate %mul3A_12, %mul3A_25 in 1 : vector<5000x128xf32>, vector<5000x128xf32> -> vector<5000x256xf32>
    %get3A_26 = arith.constant 0 : index
    %get3A_27 = arith.constant 0 : index
    %get3A_28 = vector.load %arg4[%get3A_26, %get3A_27] : memref<1x256xf32, #tpu.memory_space<vmem>>, vector<1x256xf32>
    %add3A_29 = vector.broadcast %get3A_28 : vector<1x256xf32> to vector<5000x256xf32>
    %add3A_30 = arith.addf %concatenate3A, %add3A_29 : vector<5000x256xf32>
    %swap3A = arith.constant 0 : index
    %swap3A_31 = arith.constant 0 : index
    %swap3A_32 = vector.load %arg5[%swap3A, %swap3A_31] : memref<5000x256xf32, #tpu.memory_space<vmem>>, vector<5000x256xf32>
    tpu.vector_store %arg5[%swap3A, %swap3A_31], %add3A_30 {strides = array<i32>} : memref<5000x256xf32, #tpu.memory_space<vmem>>, vector<5000x256xf32>,
    return
  }
  func.func @transform_0(%arg0: i32) -> (i32, i32, i32) {
    %c0_i32 = arith.constant 0 : i32
    %c0_i32_0 = arith.constant 0 : i32
    %c0_i32_1 = arith.constant 0 : i32
    return %c0_i32, %arg0, %c0_i32_0 : i32, i32, i32
  }
  func.func @transform_1(%arg0: i32) -> (i32, i32, i32) {
    %c0_i32 = arith.constant 0 : i32
    %c0_i32_0 = arith.constant 0 : i32
    %c0_i32_1 = arith.constant 0 : i32
    return %c0_i32, %arg0, %c0_i32_0 : i32, i32, i32
  }
  func.func @transform_2(%arg0: i32) -> (i32, i32) {
    %c0_i32 = arith.constant 0 : i32
    %c0_i32_0 = arith.constant 0 : i32
    return %arg0, %c0_i32 : i32, i32
  }
  func.func @transform_3(%arg0: i32) -> (i32, i32) {
    %c0_i32 = arith.constant 0 : i32
    %c0_i32_0 = arith.constant 0 : i32
    %c0_i32_1 = arith.constant 0 : i32
    return %c0_i32, %c0_i32_0 : i32, i32
  }
  func.func @transform_4(%arg0: i32) -> (i32, i32) {
    %c0_i32 = arith.constant 0 : i32
    %c0_i32_0 = arith.constant 0 : i32
    return %arg0, %c0_i32 : i32, i32
  }
}

</mosaic_0001>

<sc_bundles>
// kernel: kernel.6.cloned.1.call-start
scs
__scs_entry_jumppad:
0x0: {  	(pc) =	sbr.rel $0x88, $3  }
0x1: {  	(tag) =	ssettag $0x0;
	lr =	simm.s32 $0x1  }
0x2: {  	[smem:$0x3F9D] =	sst lr;
	_ =	strace $0xD0000000  }
0x3: {  	_ = 	snop  }
0x4: {  	_ = 	snop  }
0x5: {  	_ = 	snop  }
0x6: {  	_ = 	snop  }
0x7: {  	_ = 	snop  }
__scs_overlays_trampoline_lowered:
0x8: {  	[smem:$0x3FAC] =	sst s0  }
0x9: {  	[smem:$0x3FAD] =	sst s1  }
0xa: {  	[smem:$0x3FAE] =	sst s2  }
0xb: {  	[smem:$0x3FAF] =	sst s3  }
0xc: {  	[smem:$0x3FB0] =	sst s4  }
0xd: {  	[smem:$0x3FB1] =	sst s5  }
0xe: {  	[smem:$0x3FB2] =	sst s6  }
0xf: {  	[smem:$0x3FB3] =	sst s7  }
0x10: {  	[smem:$0x3FB4] =	sst s8  }
0x11: {  	[smem:$0x3FB5] =	sst s9;
	s0 =	simm.s32 @!p0 $0x0  }
0x12: {  	s1 =	sld [smem:$0x3F9B];
	s0 =	simm.s32 @p0 $0x1  }
0x13: {  	[smem:$0x3FB6] =	sst s0;
	s0 =	simm.s32 @!p1 $0x0  }
0x14: {  	s2 =	sld [smem:$0x3F9A];
	s0 =	simm.s32 @p1 $0x1  }
0x15: {  	[smem:$0x3FB7] =	sst s0;
	s0 =	simm.s32 @!p2 $0x0  }
0x16: {  	s3 =	sld [smem:$0x3FDB];
	s0 =	simm.s32 @p2 $0x1  }
0x17: {  	s4 =	simm.s32 $0x1BF5;
	[smem:$0x3FB9] =	sst s0  }
0x18: {  	s0 =	sld [smem:$0x3F9C];
	_ =	swait.ge [sflag:s4], $0x0  }
0x19: {  	s7 =	sld [smem:$0x3F9D]  }
0x1a: {  	s8 =	sadd.s32 $0xFFFFE003, lr  }
0x1b: {  	s9 =	sadd.s32 $0xFFFFFEF7, lr;
	s5 =	simm.s32 $0xFFFFFFFF;
	p2 =	slt.u32 s8, $0xFFFFF086  }
0x1c: {  	p1 =	slt.u32 s9, $0xF7A;
	s5 =	simm.s32 @!p2 $0x0  }
0x1d: {  	s5 =	simm.s32 @p1 $0x1;
	p0 =	seq.s32 s7, s2  }
0x1e: {  	s7 =	smul.u32 @!p0 $0xF7A, s2;
	p2 =	seq.s32 @!p0 s5, $0x0  }
0x1f: {  	s9 =	smul.u32 $0xF7A, s1;
	s8 =	simm.s32 @!p0 $0x1BF5;
	p2 =	por !p2, p0  }
0x20: {  	[sflag:s8] =	ssyncset.s32 @!p0 $0xFFFFF086;
	s6 =	sadd.s32 @!p0 s3, s7;
	s7 =	simm.s32 @!p0 $0x108  }
0x21: {  	s3 =	sadd.s32 s3, s9;
	s6 =	sadd.s32 @!p0 $0x88, s6;
	s7 =	simm.s32 @p2 $0x1082  }
0x22: {  	[simem:s7], [sflag:s8] =	dma.local @!p0 [hbm:s6], $0xF7A  }
0x23: {  	s9 =	sor.u32 $0xD0000000, s2;
	s6 =	simm.s32 $0x108;
	_ =	swait.ge @!p0 [sflag:s8], $0x0  }
0x24: {  	s3 =	sadd.s32 $0x88, s3;
	s6 =	simm.s32 @!p1 $0x1082;
	[sflag:s4] =	ssyncset.s32 $0xFFFFF086  }
0x25: {  	[simem:s6], [sflag:s4] =	dma.local [hbm:s3], $0xF7A  }
0x26: {  	[smem:$0x3F9D] =	sst s1;
	(tag) =	ssettag s2;
	_ =	strace s9  }
0x27: {  	s1 =	sld [smem:$0x3FAD]  }
0x28: {  	s2 =	sld [smem:$0x3FAE]  }
0x29: {  	s4 =	sld [smem:$0x3FB0]  }
0x2a: {  	p0 =	seq.s32 s5, $0x0;
	s5 =	sld [smem:$0x3FB1]  }
0x2b: {  	s6 =	sld [smem:$0x3FB2]  }
0x2c: {  	s7 =	sld [smem:$0x3FB3]  }
0x2d: {  	s3 =	simm.s32 $0x108;
	s8 =	sld [smem:$0x3FB4]  }
0x2e: {  	s3 =	simm.s32 @!p0 $0x1082;
	s9 =	sld [smem:$0x3FB5]  }
0x2f: {  	lr =	sadd.s32 s0, s3;
	s0 =	sld [smem:$0x3FAC]  }
0x30: {  	s3 =	sld [smem:$0x3FAF]  }
0x31: {  	[smem:$0x3FB8] =	sst s10  }
0x32: {  	s10 =	sld [smem:$0x3FB6];
	_ =	sdelay $0x3  }
0x33: {  	p0 =	seq.s32 s10, $0x1;
	s10 =	sld [smem:$0x3FB8];
	_ =	sdelay $0x3  }
0x34: {  	[smem:$0x3FB8] =	sst s10  }
0x35: {  	s10 =	sld [smem:$0x3FB7];
	_ =	sdelay $0x3  }
0x36: {  	p1 =	seq.s32 s10, $0x1;
	s10 =	sld [smem:$0x3FB8];
	_ =	sdelay $0x3  }
0x37: {  	[smem:$0x3FB8] =	sst s10  }
0x38: {  	s10 =	sld [smem:$0x3FB9]  }
0x39: {  	_ = 	snop;
	(pc) =	sbr.ind lr, $3  }
0x3a: {  	_ = 	snop  }
0x3b: {  	_ = 	snop  }
0x3c: {  	p2 =	seq.s32 s10, $0x1;
	s10 =	sld [smem:$0x3FB8]  }
0x3d: {  	_ =	shalt  }
0x3e: {  	_ =	shalt  }
0x3f: {  	_ =	shalt  }
0x40: {  	_ =	shalt  }
0x41: {  	_ =	shalt  }
0x42: {  	_ =	shalt  }
0x43: {  	_ =	shalt  }
0x44: {  	_ =	shalt  }
0x45: {  	_ =	shalt  }
0x46: {  	_ =	shalt  }
0x47: {  	_ =	shalt  }
0x48: {  	_ =	shalt  }
0x49: {  	_ =	shalt  }
0x4a: {  	_ =	shalt  }
0x4b: {  	_ =	shalt  }
0x4c: {  	_ =	shalt  }
0x4d: {  	_ =	shalt  }
0x4e: {  	_ =	shalt  }
0x4f: {  	_ =	shalt  }
0x50: {  	_ =	shalt  }
0x51: {  	_ =	shalt  }
0x52: {  	_ =	shalt  }
0x53: {  	_ =	shalt  }
0x54: {  	_ =	shalt  }
0x55: {  	_ =	shalt  }
0x56: {  	_ =	shalt  }
0x57: {  	_ =	shalt  }
0x58: {  	_ =	shalt  }
0x59: {  	_ =	shalt  }
0x5a: {  	_ =	shalt  }
0x5b: {  	_ =	shalt  }
0x5c: {  	_ =	shalt  }
0x5d: {  	_ =	shalt  }
0x5e: {  	_ =	shalt  }
0x5f: {  	_ =	shalt  }
0x60: {  	_ =	shalt  }
0x61: {  	_ =	shalt  }
0x62: {  	_ =	shalt  }
0x63: {  	_ =	shalt  }
0x64: {  	_ =	shalt  }
0x65: {  	_ =	shalt  }
0x66: {  	_ =	shalt  }
0x67: {  	_ =	shalt  }
0x68: {  	_ =	shalt  }
0x69: {  	_ =	shalt  }
0x6a: {  	_ =	shalt  }
0x6b: {  	_ =	shalt  }
0x6c: {  	_ =	shalt  }
0x6d: {  	_ =	shalt  }
0x6e: {  	_ =	shalt  }
0x6f: {  	_ =	shalt  }
0x70: {  	_ =	shalt  }
0x71: {  	_ =	shalt  }
0x72: {  	_ =	shalt  }
0x73: {  	_ =	shalt  }
0x74: {  	_ =	shalt  }
0x75: {  	_ =	shalt  }
0x76: {  	_ =	shalt  }
0x77: {  	_ =	shalt  }
0x78: {  	_ =	shalt  }
0x79: {  	_ =	shalt  }
0x7a: {  	_ =	shalt  }
0x7b: {  	_ =	shalt  }
0x7c: {  	_ =	shalt  }
0x7d: {  	_ =	shalt  }
0x7e: {  	_ =	shalt  }
0x7f: {  	_ =	shalt  }
0x80: {  	_ =	shalt  }
0x81: {  	_ =	shalt  }
0x82: {  	_ =	shalt  }
0x83: {  	_ =	shalt  }
0x84: {  	_ =	shalt  }
0x85: {  	_ =	shalt  }
0x86: {  	_ =	shalt  }
0x87: {  	_ =	shalt  }
.Lfunc_end0:
.L_simem_size_0:
called_computation_lowered:
.L_overlay_start_0:
0x88: {  	s2 =	sld [smem:$0x3FD9]  }
0x89: {  	s3 =	sld [smem:$0x3FFE];
	_ =	sdelay $0x1  }
0x8a: {  	s1 =	srdreg.scid  }
0x8b: {  	s0 =	sand.u32 $0x1, s1  }
0x8c: {  	s17 =	sshll.u32 s0, $0xA;
	s2 =	sadd.s32 s3, s2  }
0x8d: {  	s2 =	sadd.s32 s2, s17  }
0x8e: {  	[smem:$0x3FC4] =	sst s2  }
0x8f: {  	_ = 	snop  }
0x90: {  	s2 =	sld [smem:$0x3FD0];
	(tm) =	ssettm $0x1  }
0x91: {  	s18 =	sld [smem:$0x3FFB];
	_ =	sdelay $0x3  }
0x92: {  	_ =	strace s18  }
0x93: {  	s3 =	sld [smem:$0x3FFC];
	_ =	sdelay $0x3  }
0x94: {  	_ =	strace s3  }
0x95: {  	s3 =	sld [smem:$0x3FFD];
	_ =	sdelay $0x3  }
0x96: {  	_ =	strace s3  }
0x97: {  	_ =	strace $0x8FFFFFFF  }
0x98: {  	s19 =	sld [smem:$0x3FDB];
	_ =	sdelay $0x1  }
0x99: {  	s4 =	simm.s32 $_scs_section_size  }
0x9a: {  	s5 =	simm.s32 $_size__tile_overlayer_lowered;
	s6 =	simm.s32 $_tile_overlayer_lowered  }
0x9b: {  	s22 =	simm.s32 $0x1BFF;
	s21 =	sshll.u32 s6, $0x1;
	s3 =	sadd.s32 s4, s19  }
0x9c: {  	s7 =	simm.s32 $0x0;
	s20 =	sshll.u32 s5, $0x1;
	s5 =	sadd.s32 s21, s3  }
0x9d: {  	[timem:s7], [sflag:s22] =	dma.local [hbm:s5], s20  }
0x9e: {  	_ =	swait.ge [sflag:s22], s20  }
0x9f: {  	s4 =	ssub.s32 $0x0, s20;
	[sflag:s22] =	ssyncset.done $0x0  }
0xa0: {  	[sflag:s22] =	ssyncadd.s32 s4;
	_ =	sdelay $0x1  }
0xa1: {  	s23 =	simm.s32 $0x1B8B  }
0xa2: {  	_ =	swait.ge [sflag:s23], $0x1  }
0xa3: {  	[sflag:s23] =	ssyncset.done $0x0  }
0xa4: {  	s25 =	simm.s32 $0x1B8E;
	s24 =	sld [smem:$0x3FFE];
	[sflag:s23] =	ssyncadd.s32 $0xFFFFFFFF  }
0xa5: {  	s26 =	simm.s32 $execute0_lowered;
	[smem:$0x3FD2] =	sst s25  }
0xa6: {  	s5 =	sshll.u32 s26, $0x1;
	_ =	strace $0x80000046;
	[dreg:$0x1] =	wrdreg $0xFFFFFFFF  }
0xa7: {  	s28 =	simm.s32 $_size_execute0_lowered;
	s3 =	sadd.s32 s3, s5;
	[dreg:$0x0] =	wrdreg $0x0  }
0xa8: {  	s5 =	sshll.u32 s28, $0x1;
	[dreg:$0x2] =	wrdreg s3  }
0xa9: {  	[dreg:$0x3] =	wrdreg s5  }
0xaa: {  	[dreg:$0x4] =	wrdreg $0xC0  }
0xab: {  	_ =	task [dreg:s7], $0x5FFFF  }
0xac: {  	[dreg:$0x1] =	wrdreg $0xFFFFFFFF  }
0xad: {  	[dreg:$0x0] =	wrdreg $0x60  }
0xae: {  	[dreg:$0x2] =	wrdreg s24  }
0xaf: {  	[dreg:$0x3] =	wrdreg s2  }
0xb0: {  	[dreg:$0x4] =	wrdreg $0x15000  }
0xb1: {  	[dreg:$0x5] =	wrdreg $0x9  }
0xb2: {  	_ =	task.clear_ibuf [dreg:s7], $0x6FFFF;
	_ =	strace $0x90000046  }
0xb3: {  	s29 =	simm.s32 $0x9;
	_ =	strace $0x80000048  }
0xb4: {  	_ =	swait.ge [sflag:s29], $0x1  }
0xb5: {  	[sflag:s29] =	ssyncadd.s32 $0xFFFFFFFF  }
0xb6: {  	_ =	strace $0x90000048  }
0xb7: {  	_ =	sfence  }
0xb8: {  	s30 =	sld [smem:$0x0];
	_ =	sdelay $0x2  }
0xb9: {  	s31 =	sshll.u32 s1, $0xD;
	s1 =	sshrl.u32 s1, $0x2  }
0xba: {  	s3 =	sand.u32 $0x4000, s31;
	s1 =	sadd.s32 s1, s30  }
0xbb: {  	s0 =	sor.u32 s3, s0;
	s1 =	sshll.u32 s1, $0x11  }
0xbc: {  	s0 =	sor.u32 s1, s0  }
0xbd: {  	s0 =	sadd.s32 $0x8F2B, s0  }
0xbe: {  	[sflag:s0] =	ssyncadd.remote.s32 $0x1  }
0xbf: {  	_ =	sfence.sel $0xFFFF  }
0xc0: {  	[dreg:$0x0] =	wrdreg $0xFFFFFFFF;
	(pc) =	sbr.abs _section_cstart, $3  }
0xc1: {  	[dreg:$0x1] =	wrdreg $0xFFFFFFFF  }
0xc2: {  	_ =	task.clear_ibuf [dreg:s7], $0x2FFFF;
	_ =	strace $0x9FFFFFFF  }
0xc3: {  	(tm) =	ssettm $0x7FFFFFFF  }
tec
execute0_lowered:
.L_overlay_start_1:
0x0: {  	(tag) =	ssettag $0x1  }
0x1: {  	s4 =	rddreg [dreg:$0x0]  }
0x2: {  	s21 =	rddreg [dreg:$0x1];
	s1 =	srdreg.scid  }
0x3: {  	s0 =	stileid.u32;
	s2 =	rddreg [dreg:$0x2];
	s3 =	simm.s32 $0x0  }
0x4: {  	s24 =	simm.s32 $0x0;
	s6 =	sand.u32 $0x1, s1;
	s9 =	smul.u32 $0xA00, s0  }
0x5: {  	s5 =	sshll.u32 s0, $0x1;
	s1 =	rddreg [dreg:$0x3];
	s17 =	smul.u32 $0x280, s0  }
0x6: {  	[smem:$0x7FF] =	sst s3;
	s5 =	sor.u32 s6, s5;
	s18 =	smul.u32 $0x2800, s6  }
0x7: {  	_ =	strace $0x80000047;
	s8 =	ssub.s32 $0x2, s6;
	s7 =	smul.u32 $0x280, s5  }
0x8: {  	s5 =	smul.u32 $0xFFFFFFD8, s5;
	s30 =	sshrl.u32 s8, $0x1;
	s9 =	sshrl.u32 s9, $0x2  }
0x9: {  	s6 =	sadd.s32 s17, s2;
	s14 =	sadd.s32 $0x80, s17;
	s19 =	sadd.s32 $0x100, s17  }
0xa: {  	s20 =	sadd.s32 $0x180, s17;
	s22 =	sadd.s32 $0x200, s17;
	s8 =	ssub.s32 s8, s30  }
0xb: {  	s12 =	sadd.s32 s18, s17;
	s15 =	sadd.s32 s18, s14;
	s14 =	sadd.s32 s14, s2  }
0xc: {  	s16 =	sadd.s32 s19, s2;
	s19 =	sadd.s32 s18, s19;
	s31 =	sadd.s32 s18, s20  }
0xd: {  	s23 =	sadd.s32 s18, s22;
	s18 =	sadd.s32 s20, s2;
	s20 =	sadd.s32 s22, s2  }
0xe: {  	s22 =	simm.s32 $0x1480;
	s7 =	sadd.s32 s7, s4;
	s4 =	sadd.s32 $0x4E2, s5  }
0xf: {  	s13 =	sshrl.u32 s12, $0x3;
	s15 =	sshrl.u32 s15, $0x3;
	s19 =	sshrl.u32 s19, $0x3  }
0x10: {  	s23 =	sshrl.u32 s23, $0x3;
	s5 =	sadd.s32 $0x1E00, s7;
	s7 =	smax.u32 s8, $0x1  }
0x11: {  	s8 =	sadd.s32 s9, s2;
	s13 =	sadd.s32 s21, s13;
	s15 =	sadd.s32 s21, s15  }
0x12: {  	s17 =	sadd.s32 s21, s19;
	s19 =	sshrl.u32 s31, $0x3;
	s9 =	sadd.s32 $0x80, s8  }
0x13: {  	s10 =	sadd.s32 $0x100, s8;
	s11 =	sadd.s32 $0x180, s8;
	s12 =	sadd.s32 $0x200, s8  }
0x14: {  	v0 =	vimm.f32 $1.000000000e+00;
	v1 =	vimm.f32 $0.0e+00;
	s19 =	sadd.s32 s21, s19;
	s21 =	sadd.s32 s21, s23;
	s23 =	simm.s32 $0x2  }
.LBB2_1:
0x15: {  	[tilespmem:$0x1400] =	vst v0  }
0x16: {  	[tilespmem:$0x1480] =	vst v1  }
0x17: {  	[tilespmem:$0x1410] =	vst v0  }
0x18: {  	[tilespmem:$0x1490] =	vst v1  }
0x19: {  	[tilespmem:$0x1420] =	vst v0  }
0x1a: {  	[tilespmem:$0x14A0] =	vst v1  }
0x1b: {  	[tilespmem:$0x1430] =	vst v0  }
0x1c: {  	[tilespmem:$0x14B0] =	vst v1  }
0x1d: {  	[tilespmem:$0x1440] =	vst v0  }
0x1e: {  	[tilespmem:$0x14C0] =	vst v1  }
0x1f: {  	[tilespmem:$0x1450] =	vst v0  }
0x20: {  	[tilespmem:$0x14D0] =	vst v1  }
0x21: {  	[tilespmem:$0x1460] =	vst v0  }
0x22: {  	[tilespmem:$0x14E0] =	vst v1  }
0x23: {  	[tilespmem:$0x1470] =	vst v0  }
0x24: {  	[tilespmem:$0x14F0] =	vst v1  }
0x25: {  	[spmem:s8] =	stream.linear.scatter [tilespmem:s22], [sflag:$0x2], $0x80, $0x38;
	[tilespmem:$0x1780] =	vst v63  }
0x26: {  	_ =	swait.ge [sflag:s23], $0x80  }
0x27: {  	[sflag:s23] =	ssyncset.done $0x0  }
0x28: {  	[sflag:s23] =	ssyncadd.s32 $0xFFFFFF80  }
0x29: {  	[spmem:s9] =	stream.linear.scatter [tilespmem:s22], [sflag:$0x2], $0x80, $0x38;
	[tilespmem:$0x1780] =	vst v63  }
0x2a: {  	_ =	swait.ge [sflag:s23], $0x80  }
0x2b: {  	[sflag:s23] =	ssyncset.done $0x0  }
0x2c: {  	[sflag:s23] =	ssyncadd.s32 $0xFFFFFF80  }
0x2d: {  	[spmem:s10] =	stream.linear.scatter [tilespmem:s22], [sflag:$0x2], $0x80, $0x38;
	[tilespmem:$0x1780] =	vst v63  }
0x2e: {  	_ =	swait.ge [sflag:s23], $0x80  }
0x2f: {  	[sflag:s23] =	ssyncset.done $0x0  }
0x30: {  	[sflag:s23] =	ssyncadd.s32 $0xFFFFFF80  }
0x31: {  	[spmem:s11] =	stream.linear.scatter [tilespmem:s22], [sflag:$0x2], $0x80, $0x38;
	[tilespmem:$0x1780] =	vst v63  }
0x32: {  	_ =	swait.ge [sflag:s23], $0x80  }
0x33: {  	[sflag:s23] =	ssyncset.done $0x0  }
0x34: {  	[sflag:s23] =	ssyncadd.s32 $0xFFFFFF80  }
0x35: {  	[spmem:s12] =	stream.linear.scatter [tilespmem:s22], [sflag:$0x2], $0x80, $0x38;
	[tilespmem:$0x1780] =	vst v63  }
0x36: {  	_ =	swait.ge [sflag:s23], $0x80  }
0x37: {  	[sflag:s23] =	ssyncset.done $0x0  }
0x38: {  	[sflag:s23] =	ssyncadd.s32 $0xFFFFFF80  }
0x39: {  	[tilespmem:s3], [sflag:$0x2] =	stream.linear.gather [hbm4b:s5+s3], $0x1400, $0x38;
	[tilespmem:$0x1780] =	vst v63  }
0x3a: {  	_ =	swait.ge [sflag:s23], $0x1400  }
0x3b: {  	[sflag:s23] =	ssyncset.done $0x0  }
0x3c: {  	[sflag:s23] =	ssyncadd.s32 $0xFFFFEC00  }
0x3d: {  	s25 =	simm.s32 $0x0;
	s26 =	simm.s32 $0x0;
	[bflag:$0x0] =	sbarrier.arrive $0xFFFF  }
.LBB2_2:
0x3e: {  	p0 =	sle.u32 s4, s26  }
0x3f: {  	s26 =	sadd.s32 $0x1, s26;
	s28 =	simm.s32 @!p0 $0x80;
	s29 =	simm.s32 @!p0 $0x1400  }
0x40: {  	[spmem:s2] =	stream.indirect.scatter.add.f32 @!p0 [tilespmem:s29], [sflag:$0x1], $0x1, s25, s28, $0xb8;
	[tilespmem:$0x1780] =	vst v63  }
0x41: {  	p0 =	sne.s32 s26, $0x28  }
.Ltmp0:
0x42: {  	_ = 	snop;
	(pc) =	sbr.rel @p0 .LBB2_2-.Ltmp0, $2  }
0x43: {  	_ =	sdelay $0x2  }
0x44: {  	s25 =	sadd.s32 $0x80, s25  }
0x45: {  	p0 =	sle.u32 s4, $0x0  }
0x46: {  	s26 =	simm.s32 @!p0 $0x1  }
0x47: {  	_ =	swait.ge @!p0 [sflag:s26], $0x80  }
0x48: {  	s25 =	simm.s32 $0x1;
	[sflag:s26] =	ssyncset.done @!p0 $0x0  }
.LBB2_4:
0x49: {  	[sflag:s26] =	ssyncadd.s32 @!p0 $0xFFFFFF80;
	s26 =	smov.u32 s25;
	s25 =	sadd.s32 $0x1, s25  }
0x4a: {  	p1 =	sne.s32 s25, $0x28  }
.Ltmp1:
0x4b: {  	(pc) =	sbr.rel @p1 .LBB2_4-.Ltmp1, $4  }
0x4c: {  	p0 =	sle.u32 s4, s26  }
0x4d: {  	s26 =	simm.s32 @!p0 $0x1  }
0x4e: {  	_ =	swait.ge @!p0 [sflag:s26], $0x80  }
0x4f: {  	[sflag:s26] =	ssyncset.done @!p0 $0x0  }
0x50: {  	[sflag:s26] =	ssyncadd.s32 @!p0 $0xFFFFFF80  }
0x51: {  	[bflag:$0x0] =	sbarrier.arrive $0xFFFF  }
0x52: {  	[tilespmem:s22], [sflag:$0x2] =	stream.linear.gather [spmem:s6], $0x80, $0x38;
	[tilespmem:$0x1780] =	vst v63  }
0x53: {  	_ =	swait.ge [sflag:s23], $0x80  }
0x54: {  	[sflag:s23] =	ssyncset.done $0x0  }
0x55: {  	[sflag:s23] =	ssyncadd.s32 $0xFFFFFF80  }
0x56: {  	[hbm4b:s13+s3] =	stream.linear.scatter [tilespmem:s22], [sflag:$0x2], $0x80, $0x38;
	[tilespmem:$0x1780] =	vst v63  }
0x57: {  	_ =	swait.ge [sflag:s23], $0x80  }
0x58: {  	[sflag:s23] =	ssyncset.done $0x0  }
0x59: {  	[sflag:s23] =	ssyncadd.s32 $0xFFFFFF80  }
0x5a: {  	[tilespmem:s22], [sflag:$0x2] =	stream.linear.gather [spmem:s14], $0x80, $0x38;
	[tilespmem:$0x1780] =	vst v63  }
0x5b: {  	_ =	swait.ge [sflag:s23], $0x80  }
0x5c: {  	[sflag:s23] =	ssyncset.done $0x0  }
0x5d: {  	[sflag:s23] =	ssyncadd.s32 $0xFFFFFF80  }
0x5e: {  	[hbm4b:s15+s3] =	stream.linear.scatter [tilespmem:s22], [sflag:$0x2], $0x80, $0x38;
	[tilespmem:$0x1780] =	vst v63  }
0x5f: {  	_ =	swait.ge [sflag:s23], $0x80  }
0x60: {  	[sflag:s23] =	ssyncset.done $0x0  }
0x61: {  	[sflag:s23] =	ssyncadd.s32 $0xFFFFFF80  }
0x62: {  	[tilespmem:s22], [sflag:$0x2] =	stream.linear.gather [spmem:s16], $0x80, $0x38;
	[tilespmem:$0x1780] =	vst v63  }
0x63: {  	_ =	swait.ge [sflag:s23], $0x80  }
0x64: {  	[sflag:s23] =	ssyncset.done $0x0  }
0x65: {  	[sflag:s23] =	ssyncadd.s32 $0xFFFFFF80  }
0x66: {  	[hbm4b:s17+s3] =	stream.linear.scatter [tilespmem:s22], [sflag:$0x2], $0x80, $0x38;
	[tilespmem:$0x1780] =	vst v63  }
0x67: {  	_ =	swait.ge [sflag:s23], $0x80  }
0x68: {  	[sflag:s23] =	ssyncset.done $0x0  }
0x69: {  	[sflag:s23] =	ssyncadd.s32 $0xFFFFFF80  }
0x6a: {  	[tilespmem:s22], [sflag:$0x2] =	stream.linear.gather [spmem:s18], $0x80, $0x38;
	[tilespmem:$0x1780] =	vst v63  }
0x6b: {  	_ =	swait.ge [sflag:s23], $0x80  }
0x6c: {  	[sflag:s23] =	ssyncset.done $0x0  }
0x6d: {  	[sflag:s23] =	ssyncadd.s32 $0xFFFFFF80  }
0x6e: {  	[hbm4b:s19+s3] =	stream.linear.scatter [tilespmem:s22], [sflag:$0x2], $0x80, $0x38;
	[tilespmem:$0x1780] =	vst v63  }
0x6f: {  	_ =	swait.ge [sflag:s23], $0x80  }
0x70: {  	[sflag:s23] =	ssyncset.done $0x0  }
0x71: {  	[sflag:s23] =	ssyncadd.s32 $0xFFFFFF80  }
0x72: {  	[tilespmem:s22], [sflag:$0x2] =	stream.linear.gather [spmem:s20], $0x80, $0x38;
	[tilespmem:$0x1780] =	vst v63  }
0x73: {  	s24 =	sadd.s32 $0x1, s24;
	_ =	swait.ge [sflag:s23], $0x80  }
0x74: {  	p0 =	sne.s32 s24, s7;
	[sflag:s23] =	ssyncset.done $0x0  }
.Ltmp2:
0x75: {  	[sflag:s23] =	ssyncadd.s32 $0xFFFFFF80;
	(pc) =	sbr.rel @p0 .LBB2_1-.Ltmp2, $4  }
0x76: {  	[hbm4b:s21+s3] =	stream.linear.scatter [tilespmem:s22], [sflag:$0x2], $0x80, $0x38;
	[tilespmem:$0x1780] =	vst v63  }
0x77: {  	_ =	swait.ge [sflag:s23], $0x80  }
0x78: {  	[sflag:s23] =	ssyncset.done $0x0  }
0x79: {  	[sflag:s23] =	ssyncadd.s32 $0xFFFFFF80  }
0x7a: {  	_ =	sfence.sel $0x180000  }
0x7b: {  	[bflag:$0x0] =	sbarrier.arrive $0xFFFF  }
0x7c: {  	p0 =	sne.s32 s0, $0x0;
	_ =	strace $0x90000047  }
0x7d: {  	s0 =	sadd.s32 @!p0 $0x100000, s1;
	[bflag:$0x2] =	sbarrier.arrive $0xFFFF  }
0x7e: {  	[sflag:s0] =	ssyncadd.tile.s32 @!p0 $0x1;
	_ =	shalt  }
.Lfunc_end2:
_tile_overlayer_lowered:
.L_overlay_start_2:
0x7f: {  	(tag) =	ssettag $0x2  }
0x80: {  	s0 =	rddreg [dreg:$0x0];
	s2 =	stileid.u32  }
0x81: {  	s1 =	rddreg [dreg:$0x1];
	p0 =	sne.s32 s2, $0x0  }
0x82: {  	s3 =	rddreg [dreg:$0x2];
	[bflag:$0x3] =	sbarrier.arrive $0xFFFF;
	s2 =	simm.s32 @!p0 $0x1C02  }
0x83: {  	[timem:s3], [sflag:s2] =	dma.local @!p0 [hbm:s0], s1  }
0x84: {  	s0 =	simm.s32 @!p0 $0x2  }
0x85: {  	_ =	swait.ge @!p0 [sflag:s0], s1  }
0x86: {  	s1 =	ssub.s32 @!p0 $0x0, s1;
	[sflag:s0] =	ssyncset.done @!p0 $0x0  }
0x87: {  	[sflag:s0] =	ssyncadd.s32 @!p0 s1  }
0x88: {  	[bflag:$0x3] =	sbarrier.arrive $0xFFFF  }
0x89: {  	_ =	shalt  }

// kernel: kernel.9.cloned.1.call-start
scs
__scs_entry_jumppad:
0x0: {  	(pc) =	sbr.rel $0x88, $3  }
0x1: {  	(tag) =	ssettag $0x0;
	lr =	simm.s32 $0x1  }
0x2: {  	[smem:$0x3F9D] =	sst lr;
	_ =	strace $0xD0000000  }
0x3: {  	_ = 	snop  }
0x4: {  	_ = 	snop  }
0x5: {  	_ = 	snop  }
0x6: {  	_ = 	snop  }
0x7: {  	_ = 	snop  }
__scs_overlays_trampoline_lowered:
0x8: {  	[smem:$0x3FAC] =	sst s0  }
0x9: {  	[smem:$0x3FAD] =	sst s1  }
0xa: {  	[smem:$0x3FAE] =	sst s2  }
0xb: {  	[smem:$0x3FAF] =	sst s3  }
0xc: {  	[smem:$0x3FB0] =	sst s4  }
0xd: {  	[smem:$0x3FB1] =	sst s5  }
0xe: {  	[smem:$0x3FB2] =	sst s6  }
0xf: {  	[smem:$0x3FB3] =	sst s7  }
0x10: {  	[smem:$0x3FB4] =	sst s8  }
0x11: {  	[smem:$0x3FB5] =	sst s9;
	s0 =	simm.s32 @!p0 $0x0  }
0x12: {  	s1 =	sld [smem:$0x3F9B];
	s0 =	simm.s32 @p0 $0x1  }
0x13: {  	[smem:$0x3FB6] =	sst s0;
	s0 =	simm.s32 @!p1 $0x0  }
0x14: {  	s2 =	sld [smem:$0x3F9A];
	s0 =	simm.s32 @p1 $0x1  }
0x15: {  	[smem:$0x3FB7] =	sst s0;
	s0 =	simm.s32 @!p2 $0x0  }
0x16: {  	s3 =	sld [smem:$0x3FDB];
	s0 =	simm.s32 @p2 $0x1  }
0x17: {  	s4 =	simm.s32 $0x1BF5;
	[smem:$0x3FB9] =	sst s0  }
0x18: {  	s0 =	sld [smem:$0x3F9C];
	_ =	swait.ge [sflag:s4], $0x0  }
0x19: {  	s7 =	sld [smem:$0x3F9D]  }
0x1a: {  	s8 =	sadd.s32 $0xFFFFE003, lr  }
0x1b: {  	s9 =	sadd.s32 $0xFFFFFEF7, lr;
	s5 =	simm.s32 $0xFFFFFFFF;
	p2 =	slt.u32 s8, $0xFFFFF086  }
0x1c: {  	p1 =	slt.u32 s9, $0xF7A;
	s5 =	simm.s32 @!p2 $0x0  }
0x1d: {  	s5 =	simm.s32 @p1 $0x1;
	p0 =	seq.s32 s7, s2  }
0x1e: {  	s7 =	smul.u32 @!p0 $0xF7A, s2;
	p2 =	seq.s32 @!p0 s5, $0x0  }
0x1f: {  	s9 =	smul.u32 $0xF7A, s1;
	s8 =	simm.s32 @!p0 $0x1BF5;
	p2 =	por !p2, p0  }
0x20: {  	[sflag:s8] =	ssyncset.s32 @!p0 $0xFFFFF086;
	s6 =	sadd.s32 @!p0 s3, s7;
	s7 =	simm.s32 @!p0 $0x108  }
0x21: {  	s3 =	sadd.s32 s3, s9;
	s6 =	sadd.s32 @!p0 $0x88, s6;
	s7 =	simm.s32 @p2 $0x1082  }
0x22: {  	[simem:s7], [sflag:s8] =	dma.local @!p0 [hbm:s6], $0xF7A  }
0x23: {  	s9 =	sor.u32 $0xD0000000, s2;
	s6 =	simm.s32 $0x108;
	_ =	swait.ge @!p0 [sflag:s8], $0x0  }
0x24: {  	s3 =	sadd.s32 $0x88, s3;
	s6 =	simm.s32 @!p1 $0x1082;
	[sflag:s4] =	ssyncset.s32 $0xFFFFF086  }
0x25: {  	[simem:s6], [sflag:s4] =	dma.local [hbm:s3], $0xF7A  }
0x26: {  	[smem:$0x3F9D] =	sst s1;
	(tag) =	ssettag s2;
	_ =	strace s9  }
0x27: {  	s1 =	sld [smem:$0x3FAD]  }
0x28: {  	s2 =	sld [smem:$0x3FAE]  }
0x29: {  	s4 =	sld [smem:$0x3FB0]  }
0x2a: {  	p0 =	seq.s32 s5, $0x0;
	s5 =	sld [smem:$0x3FB1]  }
0x2b: {  	s6 =	sld [smem:$0x3FB2]  }
0x2c: {  	s7 =	sld [smem:$0x3FB3]  }
0x2d: {  	s3 =	simm.s32 $0x108;
	s8 =	sld [smem:$0x3FB4]  }
0x2e: {  	s3 =	simm.s32 @!p0 $0x1082;
	s9 =	sld [smem:$0x3FB5]  }
0x2f: {  	lr =	sadd.s32 s0, s3;
	s0 =	sld [smem:$0x3FAC]  }
0x30: {  	s3 =	sld [smem:$0x3FAF]  }
0x31: {  	[smem:$0x3FB8] =	sst s10  }
0x32: {  	s10 =	sld [smem:$0x3FB6];
	_ =	sdelay $0x3  }
0x33: {  	p0 =	seq.s32 s10, $0x1;
	s10 =	sld [smem:$0x3FB8];
	_ =	sdelay $0x3  }
0x34: {  	[smem:$0x3FB8] =	sst s10  }
0x35: {  	s10 =	sld [smem:$0x3FB7];
	_ =	sdelay $0x3  }
0x36: {  	p1 =	seq.s32 s10, $0x1;
	s10 =	sld [smem:$0x3FB8];
	_ =	sdelay $0x3  }
0x37: {  	[smem:$0x3FB8] =	sst s10  }
0x38: {  	s10 =	sld [smem:$0x3FB9]  }
0x39: {  	_ = 	snop;
	(pc) =	sbr.ind lr, $3  }
0x3a: {  	_ = 	snop  }
0x3b: {  	_ = 	snop  }
0x3c: {  	p2 =	seq.s32 s10, $0x1;
	s10 =	sld [smem:$0x3FB8]  }
0x3d: {  	_ =	shalt  }
0x3e: {  	_ =	shalt  }
0x3f: {  	_ =	shalt  }
0x40: {  	_ =	shalt  }
0x41: {  	_ =	shalt  }
0x42: {  	_ =	shalt  }
0x43: {  	_ =	shalt  }
0x44: {  	_ =	shalt  }
0x45: {  	_ =	shalt  }
0x46: {  	_ =	shalt  }
0x47: {  	_ =	shalt  }
0x48: {  	_ =	shalt  }
0x49: {  	_ =	shalt  }
0x4a: {  	_ =	shalt  }
0x4b: {  	_ =	shalt  }
0x4c: {  	_ =	shalt  }
0x4d: {  	_ =	shalt  }
0x4e: {  	_ =	shalt  }
0x4f: {  	_ =	shalt  }
0x50: {  	_ =	shalt  }
0x51: {  	_ =	shalt  }
0x52: {  	_ =	shalt  }
0x53: {  	_ =	shalt  }
0x54: {  	_ =	shalt  }
0x55: {  	_ =	shalt  }
0x56: {  	_ =	shalt  }
0x57: {  	_ =	shalt  }
0x58: {  	_ =	shalt  }
0x59: {  	_ =	shalt  }
0x5a: {  	_ =	shalt  }
0x5b: {  	_ =	shalt  }
0x5c: {  	_ =	shalt  }
0x5d: {  	_ =	shalt  }
0x5e: {  	_ =	shalt  }
0x5f: {  	_ =	shalt  }
0x60: {  	_ =	shalt  }
0x61: {  	_ =	shalt  }
0x62: {  	_ =	shalt  }
0x63: {  	_ =	shalt  }
0x64: {  	_ =	shalt  }
0x65: {  	_ =	shalt  }
0x66: {  	_ =	shalt  }
0x67: {  	_ =	shalt  }
0x68: {  	_ =	shalt  }
0x69: {  	_ =	shalt  }
0x6a: {  	_ =	shalt  }
0x6b: {  	_ =	shalt  }
0x6c: {  	_ =	shalt  }
0x6d: {  	_ =	shalt  }
0x6e: {  	_ =	shalt  }
0x6f: {  	_ =	shalt  }
0x70: {  	_ =	shalt  }
0x71: {  	_ =	shalt  }
0x72: {  	_ =	shalt  }
0x73: {  	_ =	shalt  }
0x74: {  	_ =	shalt  }
0x75: {  	_ =	shalt  }
0x76: {  	_ =	shalt  }
0x77: {  	_ =	shalt  }
0x78: {  	_ =	shalt  }
0x79: {  	_ =	shalt  }
0x7a: {  	_ =	shalt  }
0x7b: {  	_ =	shalt  }
0x7c: {  	_ =	shalt  }
0x7d: {  	_ =	shalt  }
0x7e: {  	_ =	shalt  }
0x7f: {  	_ =	shalt  }
0x80: {  	_ =	shalt  }
0x81: {  	_ =	shalt  }
0x82: {  	_ =	shalt  }
0x83: {  	_ =	shalt  }
0x84: {  	_ =	shalt  }
0x85: {  	_ =	shalt  }
0x86: {  	_ =	shalt  }
0x87: {  	_ =	shalt  }
.Lfunc_end0:
.L_simem_size_0:
called_computation.1_lowered:
.L_overlay_start_0:
0x88: {  	s2 =	sld [smem:$0x3FD9]  }
0x89: {  	s3 =	sld [smem:$0x3FFE];
	_ =	sdelay $0x1  }
0x8a: {  	s1 =	srdreg.scid  }
0x8b: {  	s0 =	sand.u32 $0x1, s1  }
0x8c: {  	s17 =	sshll.u32 s0, $0xA;
	s2 =	sadd.s32 s3, s2  }
0x8d: {  	s2 =	sadd.s32 s2, s17  }
0x8e: {  	[smem:$0x3FC4] =	sst s2  }
0x8f: {  	_ = 	snop  }
0x90: {  	s2 =	sld [smem:$0x3FD0];
	(tm) =	ssettm $0x1  }
0x91: {  	s18 =	sld [smem:$0x3FFB];
	_ =	sdelay $0x3  }
0x92: {  	_ =	strace s18  }
0x93: {  	s3 =	sld [smem:$0x3FFC];
	_ =	sdelay $0x3  }
0x94: {  	_ =	strace s3  }
0x95: {  	s3 =	sld [smem:$0x3FFD];
	_ =	sdelay $0x3  }
0x96: {  	_ =	strace s3  }
0x97: {  	_ =	strace $0x8FFFFFFF  }
0x98: {  	s19 =	sld [smem:$0x3FDB];
	_ =	sdelay $0x1  }
0x99: {  	s4 =	simm.s32 $_scs_section_size  }
0x9a: {  	s5 =	simm.s32 $_size__tile_overlayer_lowered;
	s6 =	simm.s32 $_tile_overlayer_lowered  }
0x9b: {  	s22 =	simm.s32 $0x1BFF;
	s21 =	sshll.u32 s6, $0x1;
	s3 =	sadd.s32 s4, s19  }
0x9c: {  	s7 =	simm.s32 $0x0;
	s20 =	sshll.u32 s5, $0x1;
	s5 =	sadd.s32 s21, s3  }
0x9d: {  	[timem:s7], [sflag:s22] =	dma.local [hbm:s5], s20  }
0x9e: {  	_ =	swait.ge [sflag:s22], s20  }
0x9f: {  	s4 =	ssub.s32 $0x0, s20;
	[sflag:s22] =	ssyncset.done $0x0  }
0xa0: {  	[sflag:s22] =	ssyncadd.s32 s4;
	_ =	sdelay $0x1  }
0xa1: {  	s23 =	simm.s32 $0x1B8B  }
0xa2: {  	_ =	swait.ge [sflag:s23], $0x1  }
0xa3: {  	[sflag:s23] =	ssyncset.done $0x0  }
0xa4: {  	s25 =	simm.s32 $0x1B8E;
	s24 =	sld [smem:$0x3FFE];
	[sflag:s23] =	ssyncadd.s32 $0xFFFFFFFF  }
0xa5: {  	s26 =	simm.s32 $execute0_lowered;
	[smem:$0x3FD2] =	sst s25  }
0xa6: {  	s5 =	sshll.u32 s26, $0x1;
	_ =	strace $0x80000049;
	[dreg:$0x1] =	wrdreg $0xFFFFFFFF  }
0xa7: {  	s28 =	simm.s32 $_size_execute0_lowered;
	s3 =	sadd.s32 s3, s5;
	[dreg:$0x0] =	wrdreg $0x0  }
0xa8: {  	s5 =	sshll.u32 s28, $0x1;
	[dreg:$0x2] =	wrdreg s3  }
0xa9: {  	[dreg:$0x3] =	wrdreg s5  }
0xaa: {  	[dreg:$0x4] =	wrdreg $0xC0  }
0xab: {  	_ =	task [dreg:s7], $0x5FFFF  }
0xac: {  	[dreg:$0x1] =	wrdreg $0xFFFFFFFF  }
0xad: {  	[dreg:$0x0] =	wrdreg $0x60  }
0xae: {  	[dreg:$0x2] =	wrdreg s24  }
0xaf: {  	[dreg:$0x3] =	wrdreg s2  }
0xb0: {  	[dreg:$0x4] =	wrdreg $0xA8000  }
0xb1: {  	[dreg:$0x5] =	wrdreg $0x9  }
0xb2: {  	_ =	task.clear_ibuf [dreg:s7], $0x6FFFF;
	_ =	strace $0x90000049  }
0xb3: {  	s29 =	simm.s32 $0x9;
	_ =	strace $0x8000004B  }
0xb4: {  	_ =	swait.ge [sflag:s29], $0x1  }
0xb5: {  	[sflag:s29] =	ssyncadd.s32 $0xFFFFFFFF  }
0xb6: {  	_ =	strace $0x9000004B  }
0xb7: {  	_ =	sfence  }
0xb8: {  	s30 =	sld [smem:$0x0];
	_ =	sdelay $0x2  }
0xb9: {  	s31 =	sshll.u32 s1, $0xD;
	s1 =	sshrl.u32 s1, $0x2  }
0xba: {  	s3 =	sand.u32 $0x4000, s31;
	s1 =	sadd.s32 s1, s30  }
0xbb: {  	s0 =	sor.u32 s3, s0;
	s1 =	sshll.u32 s1, $0x11  }
0xbc: {  	s0 =	sor.u32 s1, s0  }
0xbd: {  	s0 =	sadd.s32 $0x8F2B, s0  }
0xbe: {  	[sflag:s0] =	ssyncadd.remote.s32 $0x1  }
0xbf: {  	_ =	sfence.sel $0xFFFF  }
0xc0: {  	[dreg:$0x0] =	wrdreg $0xFFFFFFFF;
	(pc) =	sbr.abs _section_cstart, $3  }
0xc1: {  	[dreg:$0x1] =	wrdreg $0xFFFFFFFF  }
0xc2: {  	_ =	task.clear_ibuf [dreg:s7], $0x2FFFF;
	_ =	strace $0x9FFFFFFF  }
0xc3: {  	(tm) =	ssettm $0x7FFFFFFF  }
tec
execute0_lowered:
.L_overlay_start_1:
0x0: {  	(tag) =	ssettag $0x1  }
0x1: {  	s0 =	rddreg [dreg:$0x0]  }
0x2: {  	s1 =	rddreg [dreg:$0x1]  }
0x3: {  	s2 =	rddreg [dreg:$0x2];
	s4 =	simm.s32 $0x0;
	s13 =	stileid.u32  }
0x4: {  	s3 =	srdreg.scid;
	s28 =	simm.s32 $0x1400;
	s7 =	smul.u32 $0xFFFFFFB0, s13  }
0x5: {  	s29 =	simm.s32 $0x80;
	s30 =	simm.s32 $0x6800;
	s8 =	smul.u32 $0x50000, s13  }
0x6: {  	s31 =	simm.s32 $0x1;
	[smem:$0x7FF] =	sst s4;
	s11 =	smul.u32 $0x500, s13  }
0x7: {  	s6 =	sadd.s32 $0x6E00, s0;
	s3 =	sand.u32 $0x1, s3;
	s19 =	smul.u32 $0x2800, s13  }
0x8: {  	s9 =	sadd.s32 $0x1E00, s0;
	s0 =	sadd.s32 $0xBE00, s0;
	s13 =	smul.u32 $0x280, s13  }
0x9: {  	_ =	strace $0x8000004A;
	s5 =	ssub.s32 $0x2, s3;
	s12 =	smul.u32 $0x2710, s3  }
0xa: {  	s3 =	smul.u32 $0x2800, s3;
	s10 =	sshrl.u32 s5, $0x1;
	s18 =	sshrl.u32 s8, $0x2  }
0xb: {  	s14 =	sadd.s32 s6, s11;
	s11 =	sadd.s32 s9, s11;
	p0 =	slt.s32 s7, $0xFFFFFB6E  }
0xc: {  	s8 =	sshrl.u32 s19, $0x3;
	s26 =	sadd.s32 $0x80, s13;
	s16 =	sadd.s32 $0x100, s13  }
0xd: {  	s17 =	sadd.s32 $0x180, s13;
	s10 =	ssub.s32 s5, s10;
	[dreg:$0x4] =	wrdreg s14  }
0xe: {  	s5 =	sadd.s32 s18, s2;
	[dreg:$0x5] =	wrdreg s11;
	s20 =	sadd.s32 $0x280, s8  }
0xf: {  	s7 =	simm.s32 @!p0 $0xFFFFFB6E;
	s25 =	sadd.s32 s3, s13;
	s6 =	sadd.s32 s6, s20  }
0x10: {  	s11 =	sadd.s32 s3, s26;
	s21 =	sadd.s32 s9, s20;
	[dreg:$0x6] =	wrdreg s6  }
0x11: {  	s14 =	sshll.u32 s26, $0x7;
	s22 =	smax.u32 s10, $0x1;
	[dreg:$0x7] =	wrdreg s21  }
0x12: {  	s13 =	sadd.s32 $0x200, s13;
	s23 =	sadd.s32 $0x4000, s5;
	[dreg:$0x8] =	wrdreg s22  }
0x13: {  	s8 =	sadd.s32 $0x4BA, s7;
	s24 =	sadd.s32 $0x8000, s5;
	[dreg:$0x9] =	wrdreg s23  }
0x14: {  	s10 =	sadd.s32 $0xC000, s5;
	s15 =	sshll.u32 s11, $0x4;
	[dreg:$0xa] =	wrdreg s24  }
0x15: {  	s20 =	sadd.s32 $0x10000, s5;
	s26 =	sshll.u32 s13, $0x7;
	[dreg:$0xb] =	wrdreg s10  }
0x16: {  	s6 =	sshll.u32 s25, $0x4;
	s7 =	sadd.s32 s0, s15;
	s22 =	sadd.s32 s3, s16  }
0x17: {  	s23 =	sadd.s32 s3, s17;
	s3 =	sadd.s32 s3, s13;
	s21 =	sadd.s32 s14, s2  }
0x18: {  	s24 =	sshll.u32 s16, $0x7;
	s25 =	sshll.u32 s17, $0x7;
	s6 =	sadd.s32 s0, s6  }
0x19: {  	[dreg:$0xd] =	wrdreg s7;
	s10 =	sshll.u32 s22, $0x4;
	s11 =	sshll.u32 s23, $0x4  }
0x1a: {  	s3 =	sshll.u32 s3, $0x4;
	s22 =	sadd.s32 s24, s2;
	s23 =	sadd.s32 s25, s2  }
0x1b: {  	s24 =	sadd.s32 s26, s2;
	s25 =	simm.s32 $0x2800;
	s26 =	simm.s32 $0x5  }
0x1c: {  	s7 =	simm.s32 $0x0;
	[dreg:$0xc] =	wrdreg s6;
	s10 =	sadd.s32 s0, s10  }
0x1d: {  	s18 =	sadd.s32 s0, s11;
	s19 =	sadd.s32 s0, s3;
	s0 =	simm.s32 $0x2  }
0x1e: {  	v1 =	vimm.f32 $0.0e+00;
	v0 =	vmov s12;
	s3 =	simm.s32 $0x3;
	s6 =	simm.s32 $0x4;
	[dreg:$0xe] =	wrdreg s10  }
.LBB2_1:
0x1f: {  	s9 =	simm.s32 $0x0;
	s10 =	simm.s32 $0x200  }
.LBB2_2:
0x20: {  	p0 =	sne.s32 s10, $0xFE00;
	[tilespmem:s9+$0x2870] =	vst v1  }
0x21: {  	[tilespmem:s9+$0x2800] =	vst v1  }
0x22: {  	[tilespmem:s9+$0x2810] =	vst v1  }
.Ltmp0:
0x23: {  	[tilespmem:s9+$0x2820] =	vst v1;
	(pc) =	sbr.rel @p0 .LBB2_2-.Ltmp0, $4  }
0x24: {  	[tilespmem:s9+$0x2830] =	vst v1  }
0x25: {  	[tilespmem:s9+$0x2840] =	vst v1  }
0x26: {  	[tilespmem:s9+$0x2850] =	vst v1  }
0x27: {  	[tilespmem:s9+$0x2860] =	vst v1;
	s9 =	sshra.s32 s10, $0x2;
	s10 =	sadd.s32 $0x200, s10  }
0x28: {  	[tilespmem:s9+$0x2870] =	vst v1  }
0x29: {  	[tilespmem:s9+$0x2800] =	vst v1  }
0x2a: {  	[tilespmem:s9+$0x2810] =	vst v1  }
0x2b: {  	[tilespmem:s9+$0x2820] =	vst v1  }
0x2c: {  	[tilespmem:s9+$0x2830] =	vst v1  }
0x2d: {  	[tilespmem:s9+$0x2840] =	vst v1  }
0x2e: {  	[tilespmem:s9+$0x2850] =	vst v1  }
0x2f: {  	[tilespmem:s9+$0x2860] =	vst v1  }
0x30: {  	[spmem:s5] =	stream.linear.scatter [tilespmem:s25], [sflag:$0x5], $0x4000, $0x38;
	[tilespmem:$0x1E800] =	vst v63  }
0x31: {  	_ =	swait.ge [sflag:s26], $0x4000  }
0x32: {  	[sflag:s26] =	ssyncset.done $0x0  }
0x33: {  	s13 =	rddreg [dreg:$0x9];
	[sflag:s26] =	ssyncadd.s32 $0xFFFFC000  }
0x34: {  	[spmem:s13] =	stream.linear.scatter [tilespmem:s25], [sflag:$0x5], $0x4000, $0x38;
	[tilespmem:$0x1E800] =	vst v63  }
0x35: {  	_ =	swait.ge [sflag:s26], $0x4000  }
0x36: {  	[sflag:s26] =	ssyncset.done $0x0  }
0x37: {  	s14 =	rddreg [dreg:$0xa];
	[sflag:s26] =	ssyncadd.s32 $0xFFFFC000  }
0x38: {  	[spmem:s14] =	stream.linear.scatter [tilespmem:s25], [sflag:$0x5], $0x4000, $0x38;
	[tilespmem:$0x1E800] =	vst v63  }
0x39: {  	_ =	swait.ge [sflag:s26], $0x4000  }
0x3a: {  	[sflag:s26] =	ssyncset.done $0x0  }
0x3b: {  	s15 =	rddreg [dreg:$0xb];
	[sflag:s26] =	ssyncadd.s32 $0xFFFFC000  }
0x3c: {  	[spmem:s15] =	stream.linear.scatter [tilespmem:s25], [sflag:$0x5], $0x4000, $0x38;
	[tilespmem:$0x1E800] =	vst v63  }
0x3d: {  	_ =	swait.ge [sflag:s26], $0x4000  }
0x3e: {  	[sflag:s26] =	ssyncset.done $0x0  }
0x3f: {  	[sflag:s26] =	ssyncadd.s32 $0xFFFFC000  }
0x40: {  	[spmem:s20] =	stream.linear.scatter [tilespmem:s25], [sflag:$0x5], $0x4000, $0x38;
	[tilespmem:$0x1E800] =	vst v63  }
0x41: {  	_ =	swait.ge [sflag:s26], $0x4000  }
0x42: {  	[sflag:s26] =	ssyncset.done $0x0  }
0x43: {  	[sflag:s26] =	ssyncadd.s32 $0xFFFFC000  }
0x44: {  	[bflag:$0x0] =	sbarrier.arrive $0xFFFF  }
0x45: {  	s16 =	simm.s32 $0x0;
	s10 =	rddreg [dreg:$0x4]  }
0x46: {  	[tilespmem:s16], [sflag:$0x5] =	stream.linear.gather [hbm4b:s10+s16], $0x1400, $0x38;
	[tilespmem:$0x1E800] =	vst v63  }
0x47: {  	_ =	swait.ge [sflag:s26], $0x1400  }
0x48: {  	[sflag:s26] =	ssyncset.done $0x0  }
0x49: {  	s17 =	rddreg [dreg:$0x5];
	[sflag:s26] =	ssyncadd.s32 $0xFFFFEC00  }
0x4a: {  	[tilespmem:s28], [sflag:$0x5] =	stream.linear.gather [hbm4b:s17+s16], $0x1400, $0x38;
	[tilespmem:$0x1E800] =	vst v63  }
0x4b: {  	_ =	swait.ge [sflag:s26], $0x1400  }
0x4c: {  	[sflag:s26] =	ssyncset.done $0x0  }
0x4d: {  	s9 =	simm.s32 $0x0;
	[sflag:s26] =	ssyncadd.s32 $0xFFFFEC00  }
0x4e: {  	v4 =	vld [tilespmem:s9+$0x0]  }
0x4f: {  	v6 =	vld [tilespmem:s9+$0x10]  }
0x50: {  	v5 =	vld [tilespmem:s9+$0x20]  }
0x51: {  	v3 =	vld [tilespmem:s9+$0x30]  }
0x52: {  	v2 =	vld [tilespmem:s9+$0x40]  }
0x53: {  	v7 =	vadd.s32 v0, v4;
	v4 =	vld [tilespmem:s9+$0x50]  }
0x54: {  	s10 =	simm.s32 $0x200;
	[tilespmem:s9+$0x0] =	vst v7;
	v7 =	vadd.s32 v0, v6;
	v6 =	vld [tilespmem:s9+$0x60]  }
.LBB2_4:
0x55: {  	s11 =	sshra.s32 s10, $0x2;
	p0 =	sne.s32 s10, $0x4E00;
	[tilespmem:s9+$0x10] =	vst v7;
	v5 =	vadd.s32 v0, v5;
	v7 =	vld [tilespmem:s9+$0x70]  }
0x56: {  	v8 =	vld [tilespmem:s11+$0x0];
	[tilespmem:s9+$0x20] =	vst v5;
	v3 =	vadd.s32 v0, v3  }
0x57: {  	v9 =	vld [tilespmem:s11+$0x10];
	[tilespmem:s9+$0x30] =	vst v3;
	v2 =	vadd.s32 v0, v2  }
.Ltmp1:
0x58: {  	v5 =	vld [tilespmem:s11+$0x20];
	[tilespmem:s9+$0x40] =	vst v2;
	v2 =	vadd.s32 v0, v4;
	(pc) =	sbr.rel @p0 .LBB2_4-.Ltmp1, $4  }
0x59: {  	v3 =	vld [tilespmem:s11+$0x30];
	[tilespmem:s9+$0x50] =	vst v2;
	v4 =	vadd.s32 v0, v6  }
0x5a: {  	v2 =	vld [tilespmem:s11+$0x40];
	[tilespmem:s9+$0x60] =	vst v4;
	v6 =	vadd.s32 v0, v7  }
0x5b: {  	v7 =	vadd.s32 v0, v8;
	v4 =	vld [tilespmem:s11+$0x50];
	[tilespmem:s9+$0x70] =	vst v6;
	s9 =	smov.u32 s11  }
0x5c: {  	s10 =	sadd.s32 $0x200, s10;
	[tilespmem:s9+$0x0] =	vst v7;
	v7 =	vadd.s32 v0, v9;
	v6 =	vld [tilespmem:s9+$0x60]  }
0x5d: {  	[tilespmem:s9+$0x10] =	vst v7;
	v5 =	vadd.s32 v0, v5;
	v63 =	vld [tilespmem:s9+$0x70]  }
0x5e: {  	[tilespmem:s9+$0x20] =	vst v5;
	v3 =	vadd.s32 v0, v3  }
0x5f: {  	[tilespmem:s9+$0x30] =	vst v3;
	v2 =	vadd.s32 v0, v2  }
0x60: {  	[tilespmem:s9+$0x40] =	vst v2;
	v2 =	vadd.s32 v0, v4  }
0x61: {  	[tilespmem:s9+$0x50] =	vst v2;
	v2 =	vadd.s32 v0, v6  }
0x62: {  	[tilespmem:s9+$0x60] =	vst v2;
	v2 =	vadd.s32 v0, v63  }
0x63: {  	s14 =	simm.s32 $0x0;
	[tilespmem:s9+$0x70] =	vst v2  }
0x64: {  	[tilespmem:s25], [sflag:$0x1] =	stream.indirect.gather [hbm4b:s1+s29], $0x80, s14, s29, $0xb8;
	[tilespmem:$0x1E800] =	vst v63  }
0x65: {  	_ = 	snop  }
0x66: {  	[tilespmem:s30], [sflag:$0x2] =	stream.indirect.gather [hbm4b:s1+s29], $0x80, s29, s29, $0xb8;
	[tilespmem:$0x1E800] =	vst v63  }
0x67: {  	_ =	swait.ge [sflag:s31], $0x4000  }
0x68: {  	[sflag:s31] =	ssyncset.done $0x0  }
0x69: {  	s15 =	simm.s32 $0x1400;
	[sflag:s31] =	ssyncadd.s32 $0xFFFFC000  }
0x6a: {  	[spmem:s2] =	stream.indirect.scatter.add.f32 [tilespmem:s25], [sflag:$0x3], $0x80, s15, s29, $0xb8;
	[tilespmem:$0x1E800] =	vst v63  }
0x6b: {  	_ =	swait.ge [sflag:s0], $0x4000  }
0x6c: {  	[sflag:s0] =	ssyncset.done $0x0  }
0x6d: {  	s16 =	simm.s32 $0x1480;
	[sflag:s0] =	ssyncadd.s32 $0xFFFFC000  }
0x6e: {  	[spmem:s2] =	stream.indirect.scatter.add.f32 [tilespmem:s30], [sflag:$0x4], $0x80, s16, s29, $0xb8;
	[tilespmem:$0x1E800] =	vst v63  }
0x6f: {  	_ =	swait.ge [sflag:s3], $0x4000  }
0x70: {  	[sflag:s3] =	ssyncset.done $0x0  }
0x71: {  	s17 =	simm.s32 $0x100;
	[sflag:s3] =	ssyncadd.s32 $0xFFFFC000  }
0x72: {  	[tilespmem:s25], [sflag:$0x1] =	stream.indirect.gather [hbm4b:s1+s29], $0x80, s17, s29, $0xb8;
	[tilespmem:$0x1E800] =	vst v63  }
0x73: {  	_ =	swait.ge [sflag:s6], $0x4000  }
0x74: {  	[sflag:s6] =	ssyncset.done $0x0  }
0x75: {  	s10 =	simm.s32 $0x180;
	s9 =	simm.s32 $0x400;
	[sflag:s6] =	ssyncadd.s32 $0xFFFFC000  }
.LBB2_6:
0x76: {  	[tilespmem:s30], [sflag:$0x2] =	stream.indirect.gather [hbm4b:s1+s29], $0x80, s10, s29, $0xb8;
	[tilespmem:$0x1E800] =	vst v63  }
0x77: {  	s10 =	smov.u32 s9  }
0x78: {  	p0 =	sne.s32 s9, $0x4800;
	s9 =	sadd.s32 $0x400, s9;
	_ =	swait.ge [sflag:s31], $0x4000  }
0x79: {  	s10 =	sshra.s32 s10, $0x2;
	[sflag:s31] =	ssyncset.done $0x0  }
0x7a: {  	s11 =	sadd.s32 $0x1400, s10;
	[sflag:s31] =	ssyncadd.s32 $0xFFFFC000  }
0x7b: {  	[spmem:s2] =	stream.indirect.scatter.add.f32 [tilespmem:s25], [sflag:$0x3], $0x80, s11, s29, $0xb8;
	[tilespmem:$0x1E800] =	vst v63  }
0x7c: {  	_ =	swait.ge [sflag:s0], $0x4000  }
0x7d: {  	[sflag:s0] =	ssyncset.done $0x0  }
0x7e: {  	s11 =	sadd.s32 $0x1480, s10;
	[sflag:s0] =	ssyncadd.s32 $0xFFFFC000  }
0x7f: {  	[spmem:s2] =	stream.indirect.scatter.add.f32 [tilespmem:s30], [sflag:$0x4], $0x80, s11, s29, $0xb8;
	[tilespmem:$0x1E800] =	vst v63  }
0x80: {  	_ =	swait.ge [sflag:s3], $0x4000  }
0x81: {  	[sflag:s3] =	ssyncset.done $0x0  }
.Ltmp2:
0x82: {  	s11 =	sadd.s32 $0x100, s10;
	[sflag:s3] =	ssyncadd.s32 $0xFFFFC000;
	(pc) =	sbr.rel @p0 .LBB2_6-.Ltmp2, $4  }
0x83: {  	[tilespmem:s25], [sflag:$0x1] =	stream.indirect.gather [hbm4b:s1+s29], $0x80, s11, s29, $0xb8;
	[tilespmem:$0x1E800] =	vst v63  }
0x84: {  	_ =	swait.ge [sflag:s6], $0x4000  }
0x85: {  	[sflag:s6] =	ssyncset.done $0x0  }
0x86: {  	s10 =	sadd.s32 $0x180, s10;
	[sflag:s6] =	ssyncadd.s32 $0xFFFFC000  }
0x87: {  	[tilespmem:s30], [sflag:$0x2] =	stream.indirect.gather [hbm4b:s1+s29], $0x80, s10, s29, $0xb8;
	[tilespmem:$0x1E800] =	vst v63  }
0x88: {  	_ =	swait.ge [sflag:s31], $0x4000  }
0x89: {  	[sflag:s31] =	ssyncset.done $0x0  }
0x8a: {  	s9 =	simm.s32 $0x2700;
	[sflag:s31] =	ssyncadd.s32 $0xFFFFC000  }
0x8b: {  	[spmem:s2] =	stream.indirect.scatter.add.f32 [tilespmem:s25], [sflag:$0x3], $0x80, s9, s29, $0xb8;
	[tilespmem:$0x1E800] =	vst v63  }
0x8c: {  	_ =	swait.ge [sflag:s0], $0x4000  }
0x8d: {  	[sflag:s0] =	ssyncset.done $0x0  }
0x8e: {  	s14 =	simm.s32 $0x2780;
	[sflag:s0] =	ssyncadd.s32 $0xFFFFC000  }
0x8f: {  	[spmem:s2] =	stream.indirect.scatter.add.f32 [tilespmem:s30], [sflag:$0x4], $0x80, s14, s29, $0xb8;
	[tilespmem:$0x1E800] =	vst v63  }
0x90: {  	_ =	swait.ge [sflag:s3], $0x4000  }
0x91: {  	[sflag:s3] =	ssyncset.done $0x0  }
0x92: {  	[sflag:s3] =	ssyncadd.s32 $0xFFFFC000  }
0x93: {  	_ =	swait.ge [sflag:s6], $0x4000  }
0x94: {  	[sflag:s6] =	ssyncset.done $0x0  }
0x95: {  	s15 =	simm.s32 $0x0;
	s16 =	rddreg [dreg:$0x6];
	[sflag:s6] =	ssyncadd.s32 $0xFFFFC000  }
0x96: {  	[tilespmem:s15], [sflag:$0x5] =	stream.linear.gather [hbm4b:s16+s15], $0x1400, $0x38;
	[tilespmem:$0x1E800] =	vst v63  }
0x97: {  	_ =	swait.ge [sflag:s26], $0x1400  }
0x98: {  	[sflag:s26] =	ssyncset.done $0x0  }
0x99: {  	s17 =	rddreg [dreg:$0x7];
	[sflag:s26] =	ssyncadd.s32 $0xFFFFEC00  }
0x9a: {  	[tilespmem:s28], [sflag:$0x5] =	stream.linear.gather [hbm4b:s17+s15], $0x1400, $0x38;
	[tilespmem:$0x1E800] =	vst v63  }
0x9b: {  	_ =	swait.ge [sflag:s26], $0x1400  }
0x9c: {  	[sflag:s26] =	ssyncset.done $0x0  }
0x9d: {  	s9 =	simm.s32 $0x0;
	[sflag:s26] =	ssyncadd.s32 $0xFFFFEC00  }
0x9e: {  	v4 =	vld [tilespmem:s9+$0x0]  }
0x9f: {  	v6 =	vld [tilespmem:s9+$0x10]  }
0xa0: {  	v5 =	vld [tilespmem:s9+$0x20]  }
0xa1: {  	v3 =	vld [tilespmem:s9+$0x30]  }
0xa2: {  	v2 =	vld [tilespmem:s9+$0x40]  }
0xa3: {  	v7 =	vadd.s32 v0, v4;
	v4 =	vld [tilespmem:s9+$0x50]  }
0xa4: {  	s10 =	simm.s32 $0x200;
	[tilespmem:s9+$0x0] =	vst v7;
	v7 =	vadd.s32 v0, v6;
	v6 =	vld [tilespmem:s9+$0x60]  }
.LBB2_8:
0xa5: {  	s11 =	sshra.s32 s10, $0x2;
	p0 =	sne.s32 s10, $0x4E00;
	[tilespmem:s9+$0x10] =	vst v7;
	v5 =	vadd.s32 v0, v5;
	v7 =	vld [tilespmem:s9+$0x70]  }
0xa6: {  	v8 =	vld [tilespmem:s11+$0x0];
	[tilespmem:s9+$0x20] =	vst v5;
	v3 =	vadd.s32 v0, v3  }
0xa7: {  	v9 =	vld [tilespmem:s11+$0x10];
	[tilespmem:s9+$0x30] =	vst v3;
	v2 =	vadd.s32 v0, v2  }
.Ltmp3:
0xa8: {  	v5 =	vld [tilespmem:s11+$0x20];
	[tilespmem:s9+$0x40] =	vst v2;
	v2 =	vadd.s32 v0, v4;
	(pc) =	sbr.rel @p0 .LBB2_8-.Ltmp3, $4  }
0xa9: {  	v3 =	vld [tilespmem:s11+$0x30];
	[tilespmem:s9+$0x50] =	vst v2;
	v4 =	vadd.s32 v0, v6  }
0xaa: {  	v2 =	vld [tilespmem:s11+$0x40];
	[tilespmem:s9+$0x60] =	vst v4;
	v6 =	vadd.s32 v0, v7  }
0xab: {  	v7 =	vadd.s32 v0, v8;
	v4 =	vld [tilespmem:s11+$0x50];
	[tilespmem:s9+$0x70] =	vst v6;
	s9 =	smov.u32 s11  }
0xac: {  	s10 =	sadd.s32 $0x200, s10;
	[tilespmem:s9+$0x0] =	vst v7;
	v7 =	vadd.s32 v0, v9;
	v6 =	vld [tilespmem:s9+$0x60]  }
0xad: {  	[tilespmem:s9+$0x10] =	vst v7;
	v5 =	vadd.s32 v0, v5;
	v63 =	vld [tilespmem:s9+$0x70]  }
0xae: {  	[tilespmem:s9+$0x20] =	vst v5;
	v3 =	vadd.s32 v0, v3  }
0xaf: {  	[tilespmem:s9+$0x30] =	vst v3;
	v2 =	vadd.s32 v0, v2  }
0xb0: {  	[tilespmem:s9+$0x40] =	vst v2;
	v2 =	vadd.s32 v0, v4  }
0xb1: {  	[tilespmem:s9+$0x50] =	vst v2;
	v2 =	vadd.s32 v0, v6  }
0xb2: {  	[tilespmem:s9+$0x60] =	vst v2;
	v2 =	vadd.s32 v0, v63  }
0xb3: {  	s17 =	simm.s32 $0x0;
	p1 =	sle.u32 s8, $0x0;
	[tilespmem:s9+$0x70] =	vst v2  }
0xb4: {  	[tilespmem:s25], [sflag:$0x1] =	stream.indirect.gather [hbm4b:s1+s29], $0x80, s17, s29, $0xb8;
	[tilespmem:$0x1E800] =	vst v63  }
0xb5: {  	s9 =	simm.s32 @!p1 $0x1  }
0xb6: {  	[tilespmem:s30], [sflag:$0x2] =	stream.indirect.gather [hbm4b:s1+s29], $0x80, s29, s29, $0xb8;
	[tilespmem:$0x1E800] =	vst v63  }
0xb7: {  	_ =	swait.ge @!p1 [sflag:s9], $0x4000  }
0xb8: {  	s10 =	simm.s32 $0x1400;
	p0 =	sle.u32 s8, $0x1;
	[sflag:s9] =	ssyncset.done @!p1 $0x0  }
0xb9: {  	s11 =	simm.s32 @!p1 $0x2800;
	[sflag:s9] =	ssyncadd.s32 @!p1 $0xFFFFC000;
	s9 =	simm.s32 @!p1 $0x80  }
0xba: {  	[spmem:s2] =	stream.indirect.scatter.add.f32 @!p1 [tilespmem:s11], [sflag:$0x3], $0x80, s10, s9, $0xb8;
	[tilespmem:$0x1E800] =	vst v63  }
0xbb: {  	s9 =	simm.s32 @!p0 $0x2  }
0xbc: {  	p2 =	sle.u32 s8, $0x2;
	_ =	swait.ge @!p0 [sflag:s9], $0x4000  }
0xbd: {  	s12 =	simm.s32 @!p0 $0x1480;
	s13 =	simm.s32 @!p0 $0x80;
	[sflag:s9] =	ssyncset.done @!p0 $0x0  }
0xbe: {  	s14 =	simm.s32 @!p1 $0x3;
	s10 =	simm.s32 @!p0 $0x6800;
	[sflag:s9] =	ssyncadd.s32 @!p0 $0xFFFFC000  }
0xbf: {  	[spmem:s2] =	stream.indirect.scatter.add.f32 @!p0 [tilespmem:s10], [sflag:$0x4], $0x80, s12, s13, $0xb8;
	[tilespmem:$0x1E800] =	vst v63  }
0xc0: {  	p3 =	sle.u32 s8, $0x3;
	s15 =	simm.s32 @!p2 $0x2800;
	_ =	swait.ge @!p1 [sflag:s14], $0x4000  }
0xc1: {  	s11 =	simm.s32 $0x100;
	s9 =	simm.s32 $0x2;
	[sflag:s14] =	ssyncset.done @!p1 $0x0  }
0xc2: {  	s13 =	simm.s32 @!p2 $0x80;
	s12 =	simm.s32 @!p0 $0x4;
	[sflag:s14] =	ssyncadd.s32 @!p1 $0xFFFFC000  }
0xc3: {  	[tilespmem:s15], [sflag:$0x1] =	stream.indirect.gather @!p2 [hbm4b:s1+s13], $0x80, s11, s13, $0xb8;
	[tilespmem:$0x1E800] =	vst v63  }
0xc4: {  	s10 =	simm.s32 $0x200;
	s14 =	simm.s32 @!p3 $0x80;
	_ =	swait.ge @!p0 [sflag:s12], $0x4000  }
0xc5: {  	s11 =	simm.s32 $0x1500;
	s13 =	simm.s32 @!p3 $0x180;
	[sflag:s12] =	ssyncset.done @!p0 $0x0  }
.LBB2_10:
0xc6: {  	p2 =	sge.u32 s9, s8;
	[sflag:s12] =	ssyncadd.s32 @!p0 $0xFFFFC000  }
0xc7: {  	s15 =	smov.u32 s9;
	s9 =	sadd.s32 $0x2, s9;
	s16 =	smov.u32 s10  }
0xc8: {  	s17 =	simm.s32 @!p3 $0x6800;
	s12 =	simm.s32 @!p2 $0x1;
	p1 =	sne.s32 s9, $0x28  }
0xc9: {  	[tilespmem:s17], [sflag:$0x2] =	stream.indirect.gather @!p3 [hbm4b:s1+s14], $0x80, s13, s14, $0xb8;
	[tilespmem:$0x1E800] =	vst v63  }
0xca: {  	_ =	swait.ge @!p2 [sflag:s12], $0x4000  }
0xcb: {  	s13 =	simm.s32 @!p2 $0x2800;
	s14 =	sadd.s32 $0x1, s15;
	[sflag:s12] =	ssyncset.done @!p2 $0x0  }
0xcc: {  	p0 =	sge.u32 s14, s8;
	[sflag:s12] =	ssyncadd.s32 @!p2 $0xFFFFC000;
	s12 =	simm.s32 @!p2 $0x80  }
0xcd: {  	[spmem:s2] =	stream.indirect.scatter.add.f32 @!p2 [tilespmem:s13], [sflag:$0x3], $0x80, s11, s12, $0xb8;
	[tilespmem:$0x1E800] =	vst v63  }
0xce: {  	s12 =	simm.s32 @!p0 $0x2  }
0xcf: {  	s13 =	simm.s32 @!p0 $0x6800;
	_ =	swait.ge @!p0 [sflag:s12], $0x4000  }
0xd0: {  	s14 =	sadd.s32 @!p0 $0x80, s11;
	s17 =	simm.s32 @!p0 $0x80;
	[sflag:s12] =	ssyncset.done @!p0 $0x0  }
0xd1: {  	p3 =	sge.u32 s9, s8;
	[sflag:s12] =	ssyncadd.s32 @!p0 $0xFFFFC000;
	s12 =	simm.s32 @!p2 $0x3  }
0xd2: {  	[spmem:s2] =	stream.indirect.scatter.add.f32 @!p0 [tilespmem:s13], [sflag:$0x4], $0x80, s14, s17, $0xb8;
	[tilespmem:$0x1E800] =	vst v63  }
0xd3: {  	s10 =	sadd.s32 $0x100, s10;
	s13 =	simm.s32 @!p3 $0x80;
	_ =	swait.ge @!p2 [sflag:s12], $0x4000  }
.Ltmp4:
0xd4: {  	s14 =	simm.s32 @!p3 $0x2800;
	[sflag:s12] =	ssyncset.done @!p2 $0x0;
	(pc) =	sbr.rel @p1 .LBB2_10-.Ltmp4, $4  }
0xd5: {  	s15 =	sadd.s32 $0x3, s15;
	[sflag:s12] =	ssyncadd.s32 @!p2 $0xFFFFC000;
	s12 =	simm.s32 @!p0 $0x4  }
0xd6: {  	[tilespmem:s14], [sflag:$0x1] =	stream.indirect.gather @!p3 [hbm4b:s1+s13], $0x80, s16, s13, $0xb8;
	[tilespmem:$0x1E800] =	vst v63  }
0xd7: {  	s11 =	sadd.s32 $0x100, s11;
	p3 =	sge.u32 s15, s8;
	_ =	swait.ge @!p0 [sflag:s12], $0x4000  }
0xd8: {  	s13 =	sadd.s32 @!p3 $0x80, s16;
	s14 =	simm.s32 @!p3 $0x80;
	[sflag:s12] =	ssyncset.done @!p0 $0x0  }
0xd9: {  	[sflag:s12] =	ssyncadd.s32 @!p0 $0xFFFFC000;
	s9 =	simm.s32 @!p3 $0x6800  }
0xda: {  	[tilespmem:s9], [sflag:$0x2] =	stream.indirect.gather @!p3 [hbm4b:s1+s14], $0x80, s13, s14, $0xb8;
	[tilespmem:$0x1E800] =	vst v63  }
0xdb: {  	[bflag:$0x0] =	sbarrier.arrive $0xFFFF  }
0xdc: {  	[tilespmem:s25], [sflag:$0x5] =	stream.linear.gather [spmem:s5], $0x4000, $0x38;
	[tilespmem:$0x1E800] =	vst v63  }
0xdd: {  	_ =	swait.ge [sflag:s26], $0x4000  }
0xde: {  	[sflag:s26] =	ssyncset.done $0x0  }
0xdf: {  	s14 =	rddreg [dreg:$0xc];
	[sflag:s26] =	ssyncadd.s32 $0xFFFFC000  }
0xe0: {  	[hbm4b:s14+s4] =	stream.linear.scatter [tilespmem:s25], [sflag:$0x5], $0x4000, $0x38;
	[tilespmem:$0x1E800] =	vst v63  }
0xe1: {  	_ =	swait.ge [sflag:s26], $0x4000  }
0xe2: {  	[sflag:s26] =	ssyncset.done $0x0  }
0xe3: {  	[sflag:s26] =	ssyncadd.s32 $0xFFFFC000  }
0xe4: {  	[tilespmem:s25], [sflag:$0x5] =	stream.linear.gather [spmem:s21], $0x4000, $0x38;
	[tilespmem:$0x1E800] =	vst v63  }
0xe5: {  	_ =	swait.ge [sflag:s26], $0x4000  }
0xe6: {  	[sflag:s26] =	ssyncset.done $0x0  }
0xe7: {  	s15 =	rddreg [dreg:$0xd];
	[sflag:s26] =	ssyncadd.s32 $0xFFFFC000  }
0xe8: {  	[hbm4b:s15+s4] =	stream.linear.scatter [tilespmem:s25], [sflag:$0x5], $0x4000, $0x38;
	[tilespmem:$0x1E800] =	vst v63  }
0xe9: {  	_ =	swait.ge [sflag:s26], $0x4000  }
0xea: {  	[sflag:s26] =	ssyncset.done $0x0  }
0xeb: {  	[sflag:s26] =	ssyncadd.s32 $0xFFFFC000  }
0xec: {  	[tilespmem:s25], [sflag:$0x5] =	stream.linear.gather [spmem:s22], $0x4000, $0x38;
	[tilespmem:$0x1E800] =	vst v63  }
0xed: {  	_ =	swait.ge [sflag:s26], $0x4000  }
0xee: {  	[sflag:s26] =	ssyncset.done $0x0  }
0xef: {  	s16 =	rddreg [dreg:$0xe];
	[sflag:s26] =	ssyncadd.s32 $0xFFFFC000  }
0xf0: {  	[hbm4b:s16+s4] =	stream.linear.scatter [tilespmem:s25], [sflag:$0x5], $0x4000, $0x38;
	[tilespmem:$0x1E800] =	vst v63  }
0xf1: {  	_ =	swait.ge [sflag:s26], $0x4000  }
0xf2: {  	[sflag:s26] =	ssyncset.done $0x0  }
0xf3: {  	[sflag:s26] =	ssyncadd.s32 $0xFFFFC000  }
0xf4: {  	[tilespmem:s25], [sflag:$0x5] =	stream.linear.gather [spmem:s23], $0x4000, $0x38;
	[tilespmem:$0x1E800] =	vst v63  }
0xf5: {  	_ =	swait.ge [sflag:s26], $0x4000  }
0xf6: {  	[sflag:s26] =	ssyncset.done $0x0  }
0xf7: {  	[sflag:s26] =	ssyncadd.s32 $0xFFFFC000  }
0xf8: {  	[hbm4b:s18+s4] =	stream.linear.scatter [tilespmem:s25], [sflag:$0x5], $0x4000, $0x38;
	[tilespmem:$0x1E800] =	vst v63  }
0xf9: {  	_ =	swait.ge [sflag:s26], $0x4000  }
0xfa: {  	[sflag:s26] =	ssyncset.done $0x0  }
0xfb: {  	[sflag:s26] =	ssyncadd.s32 $0xFFFFC000  }
0xfc: {  	[tilespmem:s25], [sflag:$0x5] =	stream.linear.gather [spmem:s24], $0x4000, $0x38;
	[tilespmem:$0x1E800] =	vst v63  }
0xfd: {  	_ =	swait.ge [sflag:s26], $0x4000  }
0xfe: {  	[sflag:s26] =	ssyncset.done $0x0  }
0xff: {  	[sflag:s26] =	ssyncadd.s32 $0xFFFFC000  }
0x100: {  	[hbm4b:s19+s4] =	stream.linear.scatter [tilespmem:s25], [sflag:$0x5], $0x4000, $0x38;
	[tilespmem:$0x1E800] =	vst v63  }
0x101: {  	_ =	swait.ge [sflag:s26], $0x4000  }
0x102: {  	s7 =	sadd.s32 $0x1, s7;
	s17 =	rddreg [dreg:$0x8]  }
0x103: {  	p0 =	sne.s32 s7, s17  }
.Ltmp5:
0x104: {  	_ = 	snop;
	(pc) =	sbr.rel @p0 .LBB2_1-.Ltmp5, $3  }
0x105: {  	_ =	sdelay $0x1  }
0x106: {  	[sflag:s26] =	ssyncset.done $0x0  }
0x107: {  	[sflag:s26] =	ssyncadd.s32 $0xFFFFC000  }
0x108: {  	_ =	sfence.sel $0x180000  }
0x109: {  	[bflag:$0x0] =	sbarrier.arrive $0xFFFF  }
0x10a: {  	_ =	strace $0x9000004A  }
0x10b: {  	s0 =	stileid.u32;
	[bflag:$0x2] =	sbarrier.arrive $0xFFFF  }
0x10c: {  	p0 =	sne.s32 s0, $0x0;
	s0 =	rddreg [dreg:$0x3]  }
0x10d: {  	s0 =	sadd.s32 @!p0 $0x100000, s0  }
0x10e: {  	[sflag:s0] =	ssyncadd.tile.s32 @!p0 $0x1;
	_ =	shalt  }
.Lfunc_end2:
_tile_overlayer_lowered:
.L_overlay_start_2:
0x10f: {  	(tag) =	ssettag $0x2  }
0x110: {  	s0 =	rddreg [dreg:$0x0];
	s2 =	stileid.u32  }
0x111: {  	s1 =	rddreg [dreg:$0x1];
	p0 =	sne.s32 s2, $0x0  }
0x112: {  	s3 =	rddreg [dreg:$0x2];
	[bflag:$0x3] =	sbarrier.arrive $0xFFFF;
	s2 =	simm.s32 @!p0 $0x1C05  }
0x113: {  	[timem:s3], [sflag:s2] =	dma.local @!p0 [hbm:s0], s1  }
0x114: {  	s0 =	simm.s32 @!p0 $0x5  }
0x115: {  	_ =	swait.ge @!p0 [sflag:s0], s1  }
0x116: {  	s1 =	ssub.s32 @!p0 $0x0, s1;
	[sflag:s0] =	ssyncset.done @!p0 $0x0  }
0x117: {  	[sflag:s0] =	ssyncadd.s32 @!p0 s1  }
0x118: {  	[bflag:$0x3] =	sbarrier.arrive $0xFFFF  }
0x119: {  	_ =	shalt  }

</sc_bundles>
